<compile_context>
chip_gen: v7x
topology: tpu7x:2x2x1
jax: 0.10.2.dev20260603
libtpu: 0.0.44.dev20260713+nightly
codegen_flags: <defaults>
</compile_context>

<pallas_src>
import functools

import jax
import jax.numpy as jnp
from jax import lax
from jax.experimental import pallas as pl
from jax.experimental.pallas import tpu as pltpu
from jax.experimental.pallas import tpu_sc as plsc

N = 10000
NP = 10240
E2 = 640000
CHUNK = 128
NTILES = 32
NSUB = 16
N_CHUNKS = 316
E_SUB = N_CHUNKS * CHUNK
E_PAD = E_SUB * NSUB
D0 = 148
DP0 = 160
D1 = 64
N_OPS = 120
N_GRAPHS = 16
R = 1280


@functools.lru_cache(maxsize=None)
def _make_sc_agg(half):
    mesh = plsc.VectorSubcoreMesh(core_axis_name="c", subcore_axis_name="s",
                                  num_cores=2, num_subcores=NSUB)
    stripe = NP // NSUB

    @functools.partial(
        pl.kernel,
        out_type=jax.ShapeDtypeStruct((2, NP, half), jnp.float32),
        mesh=mesh,
        scratch_types=[
            pltpu.VMEM((CHUNK,), jnp.int32),
            pltpu.VMEM((CHUNK,), jnp.int32),
            pltpu.VMEM((CHUNK,), jnp.int32),
            pltpu.VMEM((CHUNK,), jnp.int32),
            pltpu.VMEM((CHUNK, half), jnp.float32),
            pltpu.VMEM((CHUNK, half), jnp.float32),
            pltpu.VMEM_SHARED((NP, half), jnp.float32),
            pltpu.SemaphoreType.DMA,
            pltpu.SemaphoreType.DMA,
        ],
        compiler_params=pltpu.CompilerParams(use_tc_tiling_on_sc=False),
    )
    def sc_agg(x_hbm, srcoff_hbm, dst_hbm, zeros_hbm, out_hbm,
               src_a, src_b, dst_a, dst_b, rows_a, rows_b, agg_sh,
               sem_a, sem_b):
        c = lax.axis_index("c")
        s = lax.axis_index("s")
        pltpu.sync_copy(zeros_hbm, agg_sh.at[pl.ds(s * stripe, stripe)])
        plsc.subcore_barrier()
        bs = c * E_PAD + s * E_SUB
        bd = s * E_SUB
        pltpu.sync_copy(srcoff_hbm.at[pl.ds(bs, CHUNK)], src_a)
        pltpu.async_copy(x_hbm.at[src_a], rows_a, sem_a)

        def body(i, carry):
            o0 = 2 * i * CHUNK
            o1 = o0 + CHUNK
            o2c = jnp.minimum(o0 + 2 * CHUNK, E_SUB - CHUNK)
            pltpu.sync_copy(srcoff_hbm.at[pl.ds(bs + o1, CHUNK)], src_b)
            cp_b = pltpu.async_copy(x_hbm.at[src_b], rows_b, sem_b)
            pltpu.sync_copy(dst_hbm.at[pl.ds(bd + o0, CHUNK)], dst_a)
            pltpu.make_async_copy(x_hbm.at[src_a], rows_a, sem_a).wait()
            pltpu.sync_copy(rows_a, agg_sh.at[dst_a], add=True)

            pltpu.sync_copy(srcoff_hbm.at[pl.ds(bs + o2c, CHUNK)], src_a)
            pltpu.async_copy(x_hbm.at[src_a], rows_a, sem_a)

            pltpu.sync_copy(dst_hbm.at[pl.ds(bd + o1, CHUNK)], dst_b)
            cp_b.wait()
            pltpu.sync_copy(rows_b, agg_sh.at[dst_b], add=True)
            return carry

        lax.fori_loop(0, N_CHUNKS // 2, body, 0)
        pltpu.make_async_copy(x_hbm.at[src_a], rows_a, sem_a).wait()
        plsc.subcore_barrier()
        pltpu.sync_copy(agg_sh.at[pl.ds(s * stripe, stripe)],
                        out_hbm.at[c, pl.ds(s * stripe, stripe)])

    return sc_agg


def _prep_body(nf_ref, opc_ref, emb_ref, out_ref):
    i = pl.program_id(0)
    nf = nf_ref[...]
    opc = opc_ref[...]
    oh = (opc == lax.broadcasted_iota(jnp.int32, (1, N_OPS), 1))
    embp = jnp.dot(oh.astype(jnp.float32), emb_ref[...],
                   preferred_element_type=jnp.float32, precision=lax.Precision.HIGHEST)
    rid = i * R + lax.broadcasted_iota(jnp.int32, (R, 1), 0)
    ones = jnp.where(rid < N, 1.0, 0.0).astype(jnp.float32)
    pad = jnp.zeros((R, DP0 - D0 - 1), jnp.float32)
    full = jnp.concatenate([nf, embp, ones, pad], axis=1)
    out_ref[0] = full[:, :DP0 // 2]
    out_ref[1] = full[:, DP0 // 2:]


def _leaky(h):
    return jnp.where(h > 0, h, 0.01 * h)


def _bdot(a, b):
    return jnp.dot(a.astype(jnp.bfloat16), b.astype(jnp.bfloat16),
                   preferred_element_type=jnp.float32)


def _sage_tail(agg_d, deg, x, WlT, bl, WrT, WlinT, blin, d):
    mean = agg_d / jnp.maximum(deg, 1.0)
    out = _bdot(mean, WlT) + bl + _bdot(x, WrT)
    nrm = jnp.sqrt(jnp.sum(out * out, axis=1, keepdims=True))
    out = out / jnp.maximum(nrm, 1e-12)
    h = _bdot(jnp.concatenate([out, x], axis=1), WlinT) + blin
    return _leaky(h)


def _layer0_body(pa_ref, pb_ref, xa_ref, xb_ref, WlT_ref, bl_ref, WrT_ref,
                 WlinT_ref, blin_ref, out_ref, deg_ref):
    agg = jnp.concatenate([pa_ref[0], pb_ref[0]], axis=1)
    x = jnp.concatenate([xa_ref[0], xb_ref[0]], axis=1)[:, :D0]
    deg = agg[:, D0:D0 + 1]
    y = _sage_tail(agg[:, :D0], deg, x, WlT_ref[...], bl_ref[...],
                   WrT_ref[...], WlinT_ref[...], blin_ref[...], D0)
    i = pl.program_id(0)
    rid = i * R + lax.broadcasted_iota(jnp.int32, (R, 1), 0)
    valid = rid < N
    y = jnp.where(valid, y, 0.0)
    out_ref[0] = y[:, :D1 // 2]
    out_ref[1] = y[:, D1 // 2:]
    deg_ref[...] = jnp.where(valid, deg, 0.0)


def _layer_mid_body(pa_ref, pb_ref, xa_ref, xb_ref, deg_ref, WlT_ref,
                    bl_ref, WrT_ref, WlinT_ref, blin_ref, out_ref):
    agg = jnp.concatenate([pa_ref[0], pb_ref[0]], axis=1)
    x = jnp.concatenate([xa_ref[0], xb_ref[0]], axis=1)
    y = _sage_tail(agg, deg_ref[...], x, WlT_ref[...], bl_ref[...],
                   WrT_ref[...], WlinT_ref[...], blin_ref[...], D1)
    i = pl.program_id(0)
    rid = i * R + lax.broadcasted_iota(jnp.int32, (R, 1), 0)
    y = jnp.where(rid < N, y, 0.0)
    out_ref[0] = y[:, :D1 // 2]
    out_ref[1] = y[:, D1 // 2:]


def _layer_last_body(pa_ref, pb_ref, xa_ref, xb_ref, deg_ref, WlT_ref,
                     bl_ref, WrT_ref, WlinT_ref, blin_ref, out_ref):
    agg = jnp.concatenate([pa_ref[0], pb_ref[0]], axis=1)
    x = jnp.concatenate([xa_ref[0], xb_ref[0]], axis=1)
    y = _sage_tail(agg, deg_ref[...], x, WlT_ref[...], bl_ref[...],
                   WrT_ref[...], WlinT_ref[...], blin_ref[...], D1)
    i = pl.program_id(0)
    rid = i * R + lax.broadcasted_iota(jnp.int32, (R, 1), 0)
    out_ref[...] = jnp.where(rid < N, y, 0.0)


def _pool_body(x_ref, batch_ref, cfg_ref, Wp1T_ref, bp1_ref, Wp2T_ref,
               bp2_ref, out_ref):
    x = x_ref[...]
    b = batch_ref[...]
    gids = lax.broadcasted_iota(jnp.int32, (N_GRAPHS, 1), 0)
    oh = (gids == b).astype(jnp.float32)
    pooled = jnp.dot(oh, x, preferred_element_type=jnp.float32,
                     precision=lax.Precision.HIGHEST)
    z = jnp.concatenate([pooled, cfg_ref[...]], axis=1)
    h = _leaky(_bdot(z, Wp1T_ref[...]) + bp1_ref[...])
    out_ref[...] = _bdot(h, Wp2T_ref[...]) + bp2_ref[...]


def _row_spec(d):
    return pl.BlockSpec((R, d), lambda i: (i, 0))


def _full_spec(shape):
    return pl.BlockSpec(shape, lambda i: tuple(0 for _ in shape))


def kernel(node_feat, node_opcode, edge_index, config_feat, n_configs, batch,
           op_emb,
           Wl0, bl0, Wr0, Wlin0, blin0,
           Wl1, bl1, Wr1, Wlin1, blin1,
           Wl2, bl2, Wr2, Wlin2, blin2,
           Wp1, bp1, Wp2, bp2):
    f32 = jnp.float32
    nf = jnp.pad(node_feat.astype(f32), ((0, NP - N), (0, 0)))
    opc = jnp.pad(node_opcode.astype(jnp.int32), (0, NP - N),
                  constant_values=N_OPS).reshape(NP, 1)
    ei = edge_index.astype(jnp.int32)
    src = jnp.pad(jnp.concatenate([ei[:, 0], ei[:, 1]]), (0, E_PAD - E2),
                  constant_values=NP - 1)
    srcoff = jnp.concatenate([src, src + NP])
    dst = jnp.pad(jnp.concatenate([ei[:, 1], ei[:, 0]]), (0, E_PAD - E2),
                  constant_values=NP - 1)
    H0 = DP0 // 2
    H1 = D1 // 2
    zeros0 = jnp.zeros((NP // NSUB, H0), f32)
    zeros1 = jnp.zeros((NP // NSUB, H1), f32)

    nprog = NP // R

    def _plane_spec(h, plane):
        return pl.BlockSpec((1, R, h), lambda i, p=plane: (p, i, 0))

    def _stack_spec(h):
        return pl.BlockSpec((2, R, h), lambda i: (0, i, 0))

    x0 = pl.pallas_call(
        _prep_body,
        grid=(nprog,),
        in_specs=[_row_spec(140), pl.BlockSpec((R, 1), lambda i: (i, 0)),
                  _full_spec((N_OPS, 8))],
        out_specs=_stack_spec(H0),
        out_shape=jax.ShapeDtypeStruct((2, NP, H0), f32),
    )(nf, opc, op_emb.astype(f32))

    def run_layer0(x0_, p, Wl, bl, Wr, Wlin, blin):
        return pl.pallas_call(
            _layer0_body,
            grid=(nprog,),
            in_specs=[_plane_spec(H0, 0), _plane_spec(H0, 1),
                      _plane_spec(H0, 0), _plane_spec(H0, 1),
                      _full_spec((D0, D0)), _full_spec((1, D0)),
                      _full_spec((D0, D0)), _full_spec((2 * D0, D1)),
                      _full_spec((1, D1))],
            out_specs=[_stack_spec(H1),
                       pl.BlockSpec((R, 1), lambda i: (i, 0))],
            out_shape=[jax.ShapeDtypeStruct((2, NP, H1), f32),
                       jax.ShapeDtypeStruct((NP, 1), f32)],
        )(p, p, x0_, x0_, Wl.T, bl.reshape(1, -1), Wr.T, Wlin.T,
          blin.reshape(1, -1))

    def run_layer(body, out_spec, out_shape, x_, invd, p,
                  Wl, bl, Wr, Wlin, blin):
        return pl.pallas_call(
            body,
            grid=(nprog,),
            in_specs=[_plane_spec(H1, 0), _plane_spec(H1, 1),
                      _plane_spec(H1, 0), _plane_spec(H1, 1),
                      pl.BlockSpec((R, 1), lambda i: (i, 0)),
                      _full_spec((D1, D1)), _full_spec((1, D1)),
                      _full_spec((D1, D1)), _full_spec((2 * D1, D1)),
                      _full_spec((1, D1))],
            out_specs=out_spec,
            out_shape=out_shape,
        )(p, p, x_, x_, invd, Wl.T, bl.reshape(1, -1), Wr.T, Wlin.T,
          blin.reshape(1, -1))

    p0 = _make_sc_agg(H0)(x0.reshape(2 * NP, H0), srcoff, dst, zeros0)
    x1, invd = run_layer0(x0, p0, Wl0, bl0, Wr0, Wlin0, blin0)
    p1 = _make_sc_agg(H1)(x1.reshape(2 * NP, H1), srcoff, dst, zeros1)
    x2 = run_layer(_layer_mid_body, _stack_spec(H1),
                   jax.ShapeDtypeStruct((2, NP, H1), f32),
                   x1, invd, p1, Wl1, bl1, Wr1, Wlin1, blin1)
    p2 = _make_sc_agg(H1)(x2.reshape(2 * NP, H1), srcoff, dst, zeros1)
    x3 = run_layer(_layer_last_body, _row_spec(D1),
                   jax.ShapeDtypeStruct((NP, D1), f32),
                   x2, invd, p2, Wl2, bl2, Wr2, Wlin2, blin2)

    batch_pad = jnp.pad(batch.astype(jnp.int32), (0, NP - N),
                        constant_values=N_GRAPHS).reshape(1, NP)
    out = pl.pallas_call(
        _pool_body,
        grid=(1,),
        in_specs=[_full_spec((NP, D1)), _full_spec((1, NP)),
                  _full_spec((N_GRAPHS, 24)), _full_spec((D1 + 24, D1)),
                  _full_spec((1, D1)), _full_spec((D1, 1)),
                  _full_spec((1, 1))],
        out_specs=_full_spec((N_GRAPHS, 1)),
        out_shape=jax.ShapeDtypeStruct((N_GRAPHS, 1), f32),
    )(x3, batch_pad, config_feat.astype(f32), Wp1.T, bp1.reshape(1, -1),
      Wp2.T, bp2.reshape(1, -1))
    return out[:, 0]

# --- scband reference (transcript-rebuilt; emitter-appended) ---
"""Pipeline reference for scband-late-join-sage-14723147891049 (READ-ONLY COPY).

The authoritative reference and input builder live on the scoring server;
editing this copy changes nothing except your own understanding.
"""

import jax, jax.numpy as jnp
import numpy as np

N_NODES = 10000
N_EDGES = 320000
N_OPS = 120
OP_EMB_DIM = 8
H_DIM = 64
N_GRAPHS = 16
NODE_FEAT_DIM = 140
IN_DIMS = [148, 64, 64]


def setup_inputs(seed: int = 0) -> dict:
    key = jax.random.key(seed)
    ks = jax.random.split(key, 40)
    inp = {}
    inp["node_feat"] = jax.random.normal(ks[0], (N_NODES, NODE_FEAT_DIM), dtype=jnp.float32)
    inp["node_opcode"] = jax.random.randint(ks[1], (N_NODES,), 0, N_OPS)
    inp["edge_index"] = jax.random.randint(ks[2], (N_EDGES, 2), 0, N_NODES)
    inp["config_feat"] = jax.random.normal(ks[3], (N_GRAPHS, 24), dtype=jnp.float32)
    inp["n_configs"] = jnp.ones((N_GRAPHS,), dtype=jnp.int32)
    inp["batch"] = jnp.sort(jax.random.randint(ks[4], (N_NODES,), 0, N_GRAPHS))
    inp["op_emb"] = 0.05 * jax.random.normal(ks[5], (N_OPS, OP_EMB_DIM), dtype=jnp.float32)
    ki = 6
    for i, d in enumerate(IN_DIMS):
        s = 1.0 / np.sqrt(d)
        inp[f"Wl{i}"] = s * jax.random.normal(ks[ki], (d, d), dtype=jnp.float32); ki += 1
        inp[f"bl{i}"] = jnp.zeros((d,), dtype=jnp.float32)
        inp[f"Wr{i}"] = s * jax.random.normal(ks[ki], (d, d), dtype=jnp.float32); ki += 1
        s2 = 1.0 / np.sqrt(2 * d)
        inp[f"Wlin{i}"] = s2 * jax.random.normal(ks[ki], (H_DIM, 2 * d), dtype=jnp.float32); ki += 1
        inp[f"blin{i}"] = jnp.zeros((H_DIM,), dtype=jnp.float32)
    sp = 1.0 / np.sqrt(H_DIM + 24)
    inp["Wp1"] = sp * jax.random.normal(ks[ki], (H_DIM, H_DIM + 24), dtype=jnp.float32); ki += 1
    inp["bp1"] = jnp.zeros((H_DIM,), dtype=jnp.float32)
    inp["Wp2"] = (1.0 / np.sqrt(H_DIM)) * jax.random.normal(ks[ki], (1, H_DIM), dtype=jnp.float32); ki += 1
    inp["bp2"] = jnp.zeros((1,), dtype=jnp.float32)
    return inp


def _gnn_layer(x, edge_index, Wl, bl, Wr, Wlin, blin):
    # bidirectional SAGEConv(in, in, normalize=True) followed by cat + linear + leaky_relu
    eib = jnp.concatenate([edge_index, edge_index[:, ::-1]], axis=0)
    src = eib[:, 0]
    dst = eib[:, 1]
    n = x.shape[0]
    msgs = jnp.take(x, src, axis=0)
    agg = jax.ops.segment_sum(msgs, dst, num_segments=n)
    deg = jax.ops.segment_sum(jnp.ones((src.shape[0],), x.dtype), dst, num_segments=n)
    mean = agg / jnp.maximum(deg, 1.0)[:, None]
    out = mean @ Wl.T + bl + x @ Wr.T
    nrm = jnp.linalg.norm(out, axis=-1, keepdims=True)
    out = out / jnp.maximum(nrm, 1e-12)
    xcat = jnp.concatenate([out, x], axis=-1)
    return jax.nn.leaky_relu(xcat @ Wlin.T + blin, 0.01)


def reference(node_feat, node_opcode, edge_index, config_feat, n_configs, batch, op_emb,
              Wl0, bl0, Wr0, Wlin0, blin0,
              Wl1, bl1, Wr1, Wlin1, blin1,
              Wl2, bl2, Wr2, Wlin2, blin2,
              Wp1, bp1, Wp2, bp2):
    x_op = jnp.take(op_emb, node_opcode, axis=0)
    x = jnp.concatenate([node_feat, x_op], axis=-1)
    x = _gnn_layer(x, edge_index, Wl0, bl0, Wr0, Wlin0, blin0)
    x = _gnn_layer(x, edge_index, Wl1, bl1, Wr1, Wlin1, blin1)
    x = _gnn_layer(x, edge_index, Wl2, bl2, Wr2, Wlin2, blin2)
    pooled = jax.ops.segment_sum(x, batch, num_segments=n_configs.shape[0])
    rep = jnp.repeat(pooled, n_configs, axis=0, total_repeat_length=n_configs.shape[0])
    z = jnp.concatenate([rep, config_feat], axis=-1)
    h = jax.nn.leaky_relu(z @ Wp1.T + bp1, 0.01)
    out = (h @ Wp2.T + bp2).squeeze(-1)
    return out

if __name__ == "__main__":
    import jax
    _d = setup_inputs()
    print(jax.jit(kernel)(*tuple(_d.values())))

</pallas_src>

<mosaic_0001>
#map = affine_map<(d0, d1) -> (0, 0)>
#map1 = affine_map<(d0, d1) -> (0)>
#map2 = affine_map<(d0, d1) -> (0, 0, 0)>
module attributes {stable_mosaic.version = 14 : i64} {
  func.func @sc_agg(%arg0: i32, %arg1: i32, %arg2: memref<20480x32xf32, #tpu.memory_space<hbm>>, %arg3: memref<1294336xi32, #tpu.memory_space<hbm>>, %arg4: memref<647168xi32, #tpu.memory_space<hbm>>, %arg5: memref<640x32xf32, #tpu.memory_space<hbm>>, %arg6: memref<2x10240x32xf32, #tpu.memory_space<hbm>>, %arg7: memref<128xi32, #tpu.memory_space<vmem>>, %arg8: memref<128xi32, #tpu.memory_space<vmem>>, %arg9: memref<128xi32, #tpu.memory_space<vmem>>, %arg10: memref<128xi32, #tpu.memory_space<vmem>>, %arg11: memref<128x32xf32, #tpu.memory_space<vmem>>, %arg12: memref<128x32xf32, #tpu.memory_space<vmem>>, %arg13: memref<10240x32xf32, #tpu.memory_space<vmem_shared>>, %arg14: memref<!tpu.dma_semaphore, #tpu.memory_space<semaphore_mem>>, %arg15: memref<!tpu.dma_semaphore, #tpu.memory_space<semaphore_mem>>) attributes {dimension_semantics = [#tpu.dimension_semantics<core_parallel>, #tpu.dimension_semantics<subcore_parallel>], iteration_bounds = array<i64: 2, 16>, scalar_prefetch = 0 : i64, scratch_operands = 9 : i64, tpu.core_type = #tpu.core_type<sc_vector_subcore>, window_params = [{transform_indices = #map}, {transform_indices = #map1}, {transform_indices = #map1}, {transform_indices = #map}, {transform_indices = #map2}]} {
    %mul3A = arith.constant 640 : i32
    %mul3A_0 = arith.muli %arg1, %mul3A : i32
    "tpu.region"() ({
      %run_scoped3A = tpu.sem_alloc : memref<!tpu.dma_semaphore, #tpu.memory_space<semaphore_mem>>
      %dma_start3A_21 = arith.constant 0 : i32
      %dma_start3A_22 = tpu.memref_slice %arg13[%mul3A_0, %dma_start3A_21] : memref<10240x32xf32, #tpu.memory_space<vmem_shared>> -> memref<640x32xf32, #tpu.memory_space<vmem_shared>>
      tpu.enqueue_dma source(%arg5 : memref<640x32xf32, #tpu.memory_space<hbm>>) target(%dma_start3A_22 : memref<640x32xf32, #tpu.memory_space<vmem_shared>>) target_semaphore(%run_scoped3A : memref<!tpu.dma_semaphore, #tpu.memory_space<semaphore_mem>>)
      %dma_wait3A_23 = arith.constant 0 : i32
      %dma_wait3A_24 = tpu.memref_slice %arg13[%mul3A_0, %dma_wait3A_23] : memref<10240x32xf32, #tpu.memory_space<vmem_shared>> -> memref<640x32xf32, #tpu.memory_space<vmem_shared>>
      tpu.wait_dma2 semaphore(%run_scoped3A : memref<!tpu.dma_semaphore, #tpu.memory_space<semaphore_mem>>) src(%arg5 : memref<640x32xf32, #tpu.memory_space<hbm>>) dst(%dma_wait3A_24 : memref<640x32xf32, #tpu.memory_space<vmem_shared>>)
      tpu.yield
    }) : () -> ()
    %barrier3A = arith.constant 0 : index
    tpu.barrier barrier_id(%barrier3A)
    %mul3A_1 = arith.constant 647168 : i32
    %mul3A_2 = arith.muli %arg0, %mul3A_1 : i32
    %mul3A_3 = arith.constant 40448 : i32
    %mul3A_4 = arith.muli %arg1, %mul3A_3 : i32
    %add3A = arith.addi %mul3A_2, %mul3A_4 : i32
    %mul3A_5 = arith.constant 40448 : i32
    %mul3A_6 = arith.muli %arg1, %mul3A_5 : i32
    "tpu.region"() ({
      %run_scoped3A = tpu.sem_alloc : memref<!tpu.dma_semaphore, #tpu.memory_space<semaphore_mem>>
      %dma_start3A_21 = tpu.memref_slice %arg3[%add3A] : memref<1294336xi32, #tpu.memory_space<hbm>> -> memref<128xi32, #tpu.memory_space<hbm>>
      %dma_start3A_22 = tpu.memref_slice %arg3[%add3A] : memref<1294336xi32, #tpu.memory_space<hbm>> -> memref<128xi32, #tpu.memory_space<hbm>>
      tpu.enqueue_dma source(%dma_start3A_22 : memref<128xi32, #tpu.memory_space<hbm>>) target(%arg7 : memref<128xi32, #tpu.memory_space<vmem>>) target_semaphore(%run_scoped3A : memref<!tpu.dma_semaphore, #tpu.memory_space<semaphore_mem>>)
      %dma_wait3A_23 = tpu.memref_slice %arg3[%add3A] : memref<1294336xi32, #tpu.memory_space<hbm>> -> memref<128xi32, #tpu.memory_space<hbm>>
      %dma_wait3A_24 = tpu.memref_slice %arg3[%add3A] : memref<1294336xi32, #tpu.memory_space<hbm>> -> memref<128xi32, #tpu.memory_space<hbm>>
      tpu.wait_dma2 semaphore(%run_scoped3A : memref<!tpu.dma_semaphore, #tpu.memory_space<semaphore_mem>>) src(%dma_wait3A_24 : memref<128xi32, #tpu.memory_space<hbm>>) dst(%arg7 : memref<128xi32, #tpu.memory_space<vmem>>)
      tpu.yield
    }) : () -> ()
    %dma_start3A = arith.constant 0 : i32
    %dma_start3A_7 = arith.constant 0 : i32
    %dma_start3A_8 = tpu.memref_slice %arg2[%dma_start3A, %dma_start3A_7] : memref<20480x32xf32, #tpu.memory_space<hbm>> -> memref<20480x32xf32, #tpu.memory_space<hbm>>
    tpu.enqueue_indirect_dma source(%dma_start3A_8 : memref<20480x32xf32, #tpu.memory_space<hbm>>) target(%arg11 : memref<128x32xf32, #tpu.memory_space<vmem>>) offsets(%arg7 : memref<128xi32, #tpu.memory_space<vmem>>) semaphore(%arg14 : memref<!tpu.dma_semaphore, #tpu.memory_space<semaphore_mem>>)
    %scan3A = arith.constant 0 : i32
    %scan3A_9 = arith.constant 0 : i32
    %scan3A_10 = arith.constant 158 : i32
    %scan3A_11 = arith.addi %scan3A_9, %scan3A_10 : i32
    %scan3A_12 = arith.constant 1 : i32
    scf.for %scan3A_21 = %scan3A_9 to %scan3A_11 step %scan3A_12  : i32 {
      %mul3A_22 = arith.constant 2 : i32
      %mul3A_23 = arith.muli %mul3A_22, %scan3A_21 : i32
      %mul3A_24 = arith.constant 128 : i32
      %mul3A_25 = arith.muli %mul3A_23, %mul3A_24 : i32
      %add3A_26 = arith.constant 128 : i32
      %add3A_27 = arith.addi %mul3A_25, %add3A_26 : i32
      %add3A_28 = arith.constant 256 : i32
      %add3A_29 = arith.addi %mul3A_25, %add3A_28 : i32
      %min3A = arith.constant 40320 : i32
      %min3A_30 = arith.minsi %add3A_29, %min3A : i32
      %add3A_31 = arith.addi %add3A, %add3A_27 : i32
      "tpu.region"() ({
        %run_scoped3A = tpu.sem_alloc : memref<!tpu.dma_semaphore, #tpu.memory_space<semaphore_mem>>
        %dma_start3A_47 = tpu.memref_slice %arg3[%add3A_31] : memref<1294336xi32, #tpu.memory_space<hbm>> -> memref<128xi32, #tpu.memory_space<hbm>>
        %dma_start3A_48 = tpu.memref_slice %arg3[%add3A_31] : memref<1294336xi32, #tpu.memory_space<hbm>> -> memref<128xi32, #tpu.memory_space<hbm>>
        tpu.enqueue_dma source(%dma_start3A_48 : memref<128xi32, #tpu.memory_space<hbm>>) target(%arg8 : memref<128xi32, #tpu.memory_space<vmem>>) target_semaphore(%run_scoped3A : memref<!tpu.dma_semaphore, #tpu.memory_space<semaphore_mem>>)
        %dma_wait3A_49 = tpu.memref_slice %arg3[%add3A_31] : memref<1294336xi32, #tpu.memory_space<hbm>> -> memref<128xi32, #tpu.memory_space<hbm>>
        %dma_wait3A_50 = tpu.memref_slice %arg3[%add3A_31] : memref<1294336xi32, #tpu.memory_space<hbm>> -> memref<128xi32, #tpu.memory_space<hbm>>
        tpu.wait_dma2 semaphore(%run_scoped3A : memref<!tpu.dma_semaphore, #tpu.memory_space<semaphore_mem>>) src(%dma_wait3A_50 : memref<128xi32, #tpu.memory_space<hbm>>) dst(%arg8 : memref<128xi32, #tpu.memory_space<vmem>>)
        tpu.yield
      }) : () -> ()
      %dma_start3A_32 = arith.constant 0 : i32
      %dma_start3A_33 = arith.constant 0 : i32
      %dma_start3A_34 = tpu.memref_slice %arg2[%dma_start3A_32, %dma_start3A_33] : memref<20480x32xf32, #tpu.memory_space<hbm>> -> memref<20480x32xf32, #tpu.memory_space<hbm>>
      tpu.enqueue_indirect_dma source(%dma_start3A_34 : memref<20480x32xf32, #tpu.memory_space<hbm>>) target(%arg12 : memref<128x32xf32, #tpu.memory_space<vmem>>) offsets(%arg8 : memref<128xi32, #tpu.memory_space<vmem>>) semaphore(%arg15 : memref<!tpu.dma_semaphore, #tpu.memory_space<semaphore_mem>>)
      %add3A_35 = arith.addi %mul3A_6, %mul3A_25 : i32
      "tpu.region"() ({
        %run_scoped3A = tpu.sem_alloc : memref<!tpu.dma_semaphore, #tpu.memory_space<semaphore_mem>>
        %dma_start3A_47 = tpu.memref_slice %arg4[%add3A_35] : memref<647168xi32, #tpu.memory_space<hbm>> -> memref<128xi32, #tpu.memory_space<hbm>>
        %dma_start3A_48 = tpu.memref_slice %arg4[%add3A_35] : memref<647168xi32, #tpu.memory_space<hbm>> -> memref<128xi32, #tpu.memory_space<hbm>>
        tpu.enqueue_dma source(%dma_start3A_48 : memref<128xi32, #tpu.memory_space<hbm>>) target(%arg9 : memref<128xi32, #tpu.memory_space<vmem>>) target_semaphore(%run_scoped3A : memref<!tpu.dma_semaphore, #tpu.memory_space<semaphore_mem>>)
        %dma_wait3A_49 = tpu.memref_slice %arg4[%add3A_35] : memref<647168xi32, #tpu.memory_space<hbm>> -> memref<128xi32, #tpu.memory_space<hbm>>
        %dma_wait3A_50 = tpu.memref_slice %arg4[%add3A_35] : memref<647168xi32, #tpu.memory_space<hbm>> -> memref<128xi32, #tpu.memory_space<hbm>>
        tpu.wait_dma2 semaphore(%run_scoped3A : memref<!tpu.dma_semaphore, #tpu.memory_space<semaphore_mem>>) src(%dma_wait3A_50 : memref<128xi32, #tpu.memory_space<hbm>>) dst(%arg9 : memref<128xi32, #tpu.memory_space<vmem>>)
        tpu.yield
      }) : () -> ()
      %dma_wait3A_36 = arith.constant 0 : i32
      %dma_wait3A_37 = arith.constant 0 : i32
      %dma_wait3A_38 = tpu.memref_slice %arg2[%dma_wait3A_36, %dma_wait3A_37] : memref<20480x32xf32, #tpu.memory_space<hbm>> -> memref<20480x32xf32, #tpu.memory_space<hbm>>
      tpu.wait_indirect_dma semaphore(%arg14 : memref<!tpu.dma_semaphore, #tpu.memory_space<semaphore_mem>>) src(%dma_wait3A_38 : memref<20480x32xf32, #tpu.memory_space<hbm>>) dst(%arg11 : memref<128x32xf32, #tpu.memory_space<vmem>>)
      "tpu.region"() ({
        %run_scoped3A = tpu.sem_alloc : memref<!tpu.dma_semaphore, #tpu.memory_space<semaphore_mem>>
        %dma_start3A_47 = arith.constant 0 : i32
        %dma_start3A_48 = arith.constant 0 : i32
        %dma_start3A_49 = tpu.memref_slice %arg13[%dma_start3A_47, %dma_start3A_48] : memref<10240x32xf32, #tpu.memory_space<vmem_shared>> -> memref<10240x32xf32, #tpu.memory_space<vmem_shared>>
        tpu.enqueue_indirect_dma source(%arg11 : memref<128x32xf32, #tpu.memory_space<vmem>>) target(%dma_start3A_49 : memref<10240x32xf32, #tpu.memory_space<vmem_shared>>) offsets(%arg9 : memref<128xi32, #tpu.memory_space<vmem>>) semaphore(%run_scoped3A : memref<!tpu.dma_semaphore, #tpu.memory_space<semaphore_mem>>) {add = true}
        %dma_wait3A_50 = arith.constant 0 : i32
        %dma_wait3A_51 = arith.constant 0 : i32
        %dma_wait3A_52 = tpu.memref_slice %arg13[%dma_wait3A_50, %dma_wait3A_51] : memref<10240x32xf32, #tpu.memory_space<vmem_shared>> -> memref<10240x32xf32, #tpu.memory_space<vmem_shared>>
        tpu.wait_indirect_dma semaphore(%run_scoped3A : memref<!tpu.dma_semaphore, #tpu.memory_space<semaphore_mem>>) src(%arg11 : memref<128x32xf32, #tpu.memory_space<vmem>>) dst(%dma_wait3A_52 : memref<10240x32xf32, #tpu.memory_space<vmem_shared>>)
        tpu.yield
      }) : () -> ()
      %add3A_39 = arith.addi %add3A, %min3A_30 : i32
      "tpu.region"() ({
        %run_scoped3A = tpu.sem_alloc : memref<!tpu.dma_semaphore, #tpu.memory_space<semaphore_mem>>
        %dma_start3A_47 = tpu.memref_slice %arg3[%add3A_39] : memref<1294336xi32, #tpu.memory_space<hbm>> -> memref<128xi32, #tpu.memory_space<hbm>>
        %dma_start3A_48 = tpu.memref_slice %arg3[%add3A_39] : memref<1294336xi32, #tpu.memory_space<hbm>> -> memref<128xi32, #tpu.memory_space<hbm>>
        tpu.enqueue_dma source(%dma_start3A_48 : memref<128xi32, #tpu.memory_space<hbm>>) target(%arg7 : memref<128xi32, #tpu.memory_space<vmem>>) target_semaphore(%run_scoped3A : memref<!tpu.dma_semaphore, #tpu.memory_space<semaphore_mem>>)
        %dma_wait3A_49 = tpu.memref_slice %arg3[%add3A_39] : memref<1294336xi32, #tpu.memory_space<hbm>> -> memref<128xi32, #tpu.memory_space<hbm>>
        %dma_wait3A_50 = tpu.memref_slice %arg3[%add3A_39] : memref<1294336xi32, #tpu.memory_space<hbm>> -> memref<128xi32, #tpu.memory_space<hbm>>
        tpu.wait_dma2 semaphore(%run_scoped3A : memref<!tpu.dma_semaphore, #tpu.memory_space<semaphore_mem>>) src(%dma_wait3A_50 : memref<128xi32, #tpu.memory_space<hbm>>) dst(%arg7 : memref<128xi32, #tpu.memory_space<vmem>>)
        tpu.yield
      }) : () -> ()
      %dma_start3A_40 = arith.constant 0 : i32
      %dma_start3A_41 = arith.constant 0 : i32
      %dma_start3A_42 = tpu.memref_slice %arg2[%dma_start3A_40, %dma_start3A_41] : memref<20480x32xf32, #tpu.memory_space<hbm>> -> memref<20480x32xf32, #tpu.memory_space<hbm>>
      tpu.enqueue_indirect_dma source(%dma_start3A_42 : memref<20480x32xf32, #tpu.memory_space<hbm>>) target(%arg11 : memref<128x32xf32, #tpu.memory_space<vmem>>) offsets(%arg7 : memref<128xi32, #tpu.memory_space<vmem>>) semaphore(%arg14 : memref<!tpu.dma_semaphore, #tpu.memory_space<semaphore_mem>>)
      %add3A_43 = arith.addi %mul3A_6, %add3A_27 : i32
      "tpu.region"() ({
        %run_scoped3A = tpu.sem_alloc : memref<!tpu.dma_semaphore, #tpu.memory_space<semaphore_mem>>
        %dma_start3A_47 = tpu.memref_slice %arg4[%add3A_43] : memref<647168xi32, #tpu.memory_space<hbm>> -> memref<128xi32, #tpu.memory_space<hbm>>
        %dma_start3A_48 = tpu.memref_slice %arg4[%add3A_43] : memref<647168xi32, #tpu.memory_space<hbm>> -> memref<128xi32, #tpu.memory_space<hbm>>
        tpu.enqueue_dma source(%dma_start3A_48 : memref<128xi32, #tpu.memory_space<hbm>>) target(%arg10 : memref<128xi32, #tpu.memory_space<vmem>>) target_semaphore(%run_scoped3A : memref<!tpu.dma_semaphore, #tpu.memory_space<semaphore_mem>>)
        %dma_wait3A_49 = tpu.memref_slice %arg4[%add3A_43] : memref<647168xi32, #tpu.memory_space<hbm>> -> memref<128xi32, #tpu.memory_space<hbm>>
        %dma_wait3A_50 = tpu.memref_slice %arg4[%add3A_43] : memref<647168xi32, #tpu.memory_space<hbm>> -> memref<128xi32, #tpu.memory_space<hbm>>
        tpu.wait_dma2 semaphore(%run_scoped3A : memref<!tpu.dma_semaphore, #tpu.memory_space<semaphore_mem>>) src(%dma_wait3A_50 : memref<128xi32, #tpu.memory_space<hbm>>) dst(%arg10 : memref<128xi32, #tpu.memory_space<vmem>>)
        tpu.yield
      }) : () -> ()
      %dma_wait3A_44 = arith.constant 0 : i32
      %dma_wait3A_45 = arith.constant 0 : i32
      %dma_wait3A_46 = tpu.memref_slice %arg2[%dma_wait3A_44, %dma_wait3A_45] : memref<20480x32xf32, #tpu.memory_space<hbm>> -> memref<20480x32xf32, #tpu.memory_space<hbm>>
      tpu.wait_indirect_dma semaphore(%arg15 : memref<!tpu.dma_semaphore, #tpu.memory_space<semaphore_mem>>) src(%dma_wait3A_46 : memref<20480x32xf32, #tpu.memory_space<hbm>>) dst(%arg12 : memref<128x32xf32, #tpu.memory_space<vmem>>)
      "tpu.region"() ({
        %run_scoped3A = tpu.sem_alloc : memref<!tpu.dma_semaphore, #tpu.memory_space<semaphore_mem>>
        %dma_start3A_47 = arith.constant 0 : i32
        %dma_start3A_48 = arith.constant 0 : i32
        %dma_start3A_49 = tpu.memref_slice %arg13[%dma_start3A_47, %dma_start3A_48] : memref<10240x32xf32, #tpu.memory_space<vmem_shared>> -> memref<10240x32xf32, #tpu.memory_space<vmem_shared>>
        tpu.enqueue_indirect_dma source(%arg12 : memref<128x32xf32, #tpu.memory_space<vmem>>) target(%dma_start3A_49 : memref<10240x32xf32, #tpu.memory_space<vmem_shared>>) offsets(%arg10 : memref<128xi32, #tpu.memory_space<vmem>>) semaphore(%run_scoped3A : memref<!tpu.dma_semaphore, #tpu.memory_space<semaphore_mem>>) {add = true}
        %dma_wait3A_50 = arith.constant 0 : i32
        %dma_wait3A_51 = arith.constant 0 : i32
        %dma_wait3A_52 = tpu.memref_slice %arg13[%dma_wait3A_50, %dma_wait3A_51] : memref<10240x32xf32, #tpu.memory_space<vmem_shared>> -> memref<10240x32xf32, #tpu.memory_space<vmem_shared>>
        tpu.wait_indirect_dma semaphore(%run_scoped3A : memref<!tpu.dma_semaphore, #tpu.memory_space<semaphore_mem>>) src(%arg12 : memref<128x32xf32, #tpu.memory_space<vmem>>) dst(%dma_wait3A_52 : memref<10240x32xf32, #tpu.memory_space<vmem_shared>>)
        tpu.yield
      }) : () -> ()
    }
    %scan3A_13 = arith.constant 158 : i32
    %dma_wait3A = arith.constant 0 : i32
    %dma_wait3A_14 = arith.constant 0 : i32
    %dma_wait3A_15 = tpu.memref_slice %arg2[%dma_wait3A, %dma_wait3A_14] : memref<20480x32xf32, #tpu.memory_space<hbm>> -> memref<20480x32xf32, #tpu.memory_space<hbm>>
    tpu.wait_indirect_dma semaphore(%arg14 : memref<!tpu.dma_semaphore, #tpu.memory_space<semaphore_mem>>) src(%dma_wait3A_15 : memref<20480x32xf32, #tpu.memory_space<hbm>>) dst(%arg11 : memref<128x32xf32, #tpu.memory_space<vmem>>)
    %barrier3A_16 = arith.constant 0 : index
    tpu.barrier barrier_id(%barrier3A_16)
    %mul3A_17 = arith.constant 640 : i32
    %mul3A_18 = arith.muli %arg1, %mul3A_17 : i32
    %mul3A_19 = arith.constant 640 : i32
    %mul3A_20 = arith.muli %arg1, %mul3A_19 : i32
    "tpu.region"() ({
      %run_scoped3A = tpu.sem_alloc : memref<!tpu.dma_semaphore, #tpu.memory_space<semaphore_mem>>
      %dma_start3A_21 = arith.constant 0 : i32
      %dma_start3A_22 = tpu.memref_slice %arg6[%arg0, %mul3A_20, %dma_start3A_21] : memref<2x10240x32xf32, #tpu.memory_space<hbm>> -> memref<1x640x32xf32, #tpu.memory_space<hbm>>
      %dma_start3A_23 = tpu.memref_squeeze %dma_start3A_22 : memref<1x640x32xf32, #tpu.memory_space<hbm>> -> memref<640x32xf32, #tpu.memory_space<hbm>>
      %dma_start3A_24 = arith.constant 0 : i32
      %dma_start3A_25 = tpu.memref_slice %arg13[%mul3A_18, %dma_start3A_24] : memref<10240x32xf32, #tpu.memory_space<vmem_shared>> -> memref<640x32xf32, #tpu.memory_space<vmem_shared>>
      tpu.enqueue_dma source(%dma_start3A_25 : memref<640x32xf32, #tpu.memory_space<vmem_shared>>) target(%dma_start3A_23 : memref<640x32xf32, #tpu.memory_space<hbm>>) target_semaphore(%run_scoped3A : memref<!tpu.dma_semaphore, #tpu.memory_space<semaphore_mem>>)
      %dma_wait3A_26 = arith.constant 0 : i32
      %dma_wait3A_27 = tpu.memref_slice %arg6[%arg0, %mul3A_20, %dma_wait3A_26] : memref<2x10240x32xf32, #tpu.memory_space<hbm>> -> memref<1x640x32xf32, #tpu.memory_space<hbm>>
      %dma_wait3A_28 = tpu.memref_squeeze %dma_wait3A_27 : memref<1x640x32xf32, #tpu.memory_space<hbm>> -> memref<640x32xf32, #tpu.memory_space<hbm>>
      %dma_wait3A_29 = arith.constant 0 : i32
      %dma_wait3A_30 = tpu.memref_slice %arg13[%mul3A_18, %dma_wait3A_29] : memref<10240x32xf32, #tpu.memory_space<vmem_shared>> -> memref<640x32xf32, #tpu.memory_space<vmem_shared>>
      tpu.wait_dma2 semaphore(%run_scoped3A : memref<!tpu.dma_semaphore, #tpu.memory_space<semaphore_mem>>) src(%dma_wait3A_30 : memref<640x32xf32, #tpu.memory_space<vmem_shared>>) dst(%dma_wait3A_28 : memref<640x32xf32, #tpu.memory_space<hbm>>)
      tpu.yield
    }) : () -> ()
    return
  }
}

#map = affine_map<(d0, d1) -> (0, 0)>
#map1 = affine_map<(d0, d1) -> (0)>
#map2 = affine_map<(d0, d1) -> (0, 0, 0)>
module attributes {stable_mosaic.version = 14 : i64} {
  func.func @sc_agg(%arg0: i32, %arg1: i32, %arg2: memref<20480x80xf32, #tpu.memory_space<hbm>>, %arg3: memref<1294336xi32, #tpu.memory_space<hbm>>, %arg4: memref<647168xi32, #tpu.memory_space<hbm>>, %arg5: memref<640x80xf32, #tpu.memory_space<hbm>>, %arg6: memref<2x10240x80xf32, #tpu.memory_space<hbm>>, %arg7: memref<128xi32, #tpu.memory_space<vmem>>, %arg8: memref<128xi32, #tpu.memory_space<vmem>>, %arg9: memref<128xi32, #tpu.memory_space<vmem>>, %arg10: memref<128xi32, #tpu.memory_space<vmem>>, %arg11: memref<128x80xf32, #tpu.memory_space<vmem>>, %arg12: memref<128x80xf32, #tpu.memory_space<vmem>>, %arg13: memref<10240x80xf32, #tpu.memory_space<vmem_shared>>, %arg14: memref<!tpu.dma_semaphore, #tpu.memory_space<semaphore_mem>>, %arg15: memref<!tpu.dma_semaphore, #tpu.memory_space<semaphore_mem>>) attributes {dimension_semantics = [#tpu.dimension_semantics<core_parallel>, #tpu.dimension_semantics<subcore_parallel>], iteration_bounds = array<i64: 2, 16>, scalar_prefetch = 0 : i64, scratch_operands = 9 : i64, tpu.core_type = #tpu.core_type<sc_vector_subcore>, window_params = [{transform_indices = #map}, {transform_indices = #map1}, {transform_indices = #map1}, {transform_indices = #map}, {transform_indices = #map2}]} {
    %mul3A = arith.constant 640 : i32
    %mul3A_0 = arith.muli %arg1, %mul3A : i32
    "tpu.region"() ({
      %run_scoped3A = tpu.sem_alloc : memref<!tpu.dma_semaphore, #tpu.memory_space<semaphore_mem>>
      %dma_start3A_21 = arith.constant 0 : i32
      %dma_start3A_22 = tpu.memref_slice %arg13[%mul3A_0, %dma_start3A_21] : memref<10240x80xf32, #tpu.memory_space<vmem_shared>> -> memref<640x80xf32, #tpu.memory_space<vmem_shared>>
      tpu.enqueue_dma source(%arg5 : memref<640x80xf32, #tpu.memory_space<hbm>>) target(%dma_start3A_22 : memref<640x80xf32, #tpu.memory_space<vmem_shared>>) target_semaphore(%run_scoped3A : memref<!tpu.dma_semaphore, #tpu.memory_space<semaphore_mem>>)
      %dma_wait3A_23 = arith.constant 0 : i32
      %dma_wait3A_24 = tpu.memref_slice %arg13[%mul3A_0, %dma_wait3A_23] : memref<10240x80xf32, #tpu.memory_space<vmem_shared>> -> memref<640x80xf32, #tpu.memory_space<vmem_shared>>
      tpu.wait_dma2 semaphore(%run_scoped3A : memref<!tpu.dma_semaphore, #tpu.memory_space<semaphore_mem>>) src(%arg5 : memref<640x80xf32, #tpu.memory_space<hbm>>) dst(%dma_wait3A_24 : memref<640x80xf32, #tpu.memory_space<vmem_shared>>)
      tpu.yield
    }) : () -> ()
    %barrier3A = arith.constant 0 : index
    tpu.barrier barrier_id(%barrier3A)
    %mul3A_1 = arith.constant 647168 : i32
    %mul3A_2 = arith.muli %arg0, %mul3A_1 : i32
    %mul3A_3 = arith.constant 40448 : i32
    %mul3A_4 = arith.muli %arg1, %mul3A_3 : i32
    %add3A = arith.addi %mul3A_2, %mul3A_4 : i32
    %mul3A_5 = arith.constant 40448 : i32
    %mul3A_6 = arith.muli %arg1, %mul3A_5 : i32
    "tpu.region"() ({
      %run_scoped3A = tpu.sem_alloc : memref<!tpu.dma_semaphore, #tpu.memory_space<semaphore_mem>>
      %dma_start3A_21 = tpu.memref_slice %arg3[%add3A] : memref<1294336xi32, #tpu.memory_space<hbm>> -> memref<128xi32, #tpu.memory_space<hbm>>
      %dma_start3A_22 = tpu.memref_slice %arg3[%add3A] : memref<1294336xi32, #tpu.memory_space<hbm>> -> memref<128xi32, #tpu.memory_space<hbm>>
      tpu.enqueue_dma source(%dma_start3A_22 : memref<128xi32, #tpu.memory_space<hbm>>) target(%arg7 : memref<128xi32, #tpu.memory_space<vmem>>) target_semaphore(%run_scoped3A : memref<!tpu.dma_semaphore, #tpu.memory_space<semaphore_mem>>)
      %dma_wait3A_23 = tpu.memref_slice %arg3[%add3A] : memref<1294336xi32, #tpu.memory_space<hbm>> -> memref<128xi32, #tpu.memory_space<hbm>>
      %dma_wait3A_24 = tpu.memref_slice %arg3[%add3A] : memref<1294336xi32, #tpu.memory_space<hbm>> -> memref<128xi32, #tpu.memory_space<hbm>>
      tpu.wait_dma2 semaphore(%run_scoped3A : memref<!tpu.dma_semaphore, #tpu.memory_space<semaphore_mem>>) src(%dma_wait3A_24 : memref<128xi32, #tpu.memory_space<hbm>>) dst(%arg7 : memref<128xi32, #tpu.memory_space<vmem>>)
      tpu.yield
    }) : () -> ()
    %dma_start3A = arith.constant 0 : i32
    %dma_start3A_7 = arith.constant 0 : i32
    %dma_start3A_8 = tpu.memref_slice %arg2[%dma_start3A, %dma_start3A_7] : memref<20480x80xf32, #tpu.memory_space<hbm>> -> memref<20480x80xf32, #tpu.memory_space<hbm>>
    tpu.enqueue_indirect_dma source(%dma_start3A_8 : memref<20480x80xf32, #tpu.memory_space<hbm>>) target(%arg11 : memref<128x80xf32, #tpu.memory_space<vmem>>) offsets(%arg7 : memref<128xi32, #tpu.memory_space<vmem>>) semaphore(%arg14 : memref<!tpu.dma_semaphore, #tpu.memory_space<semaphore_mem>>)
    %scan3A = arith.constant 0 : i32
    %scan3A_9 = arith.constant 0 : i32
    %scan3A_10 = arith.constant 158 : i32
    %scan3A_11 = arith.addi %scan3A_9, %scan3A_10 : i32
    %scan3A_12 = arith.constant 1 : i32
    scf.for %scan3A_21 = %scan3A_9 to %scan3A_11 step %scan3A_12  : i32 {
      %mul3A_22 = arith.constant 2 : i32
      %mul3A_23 = arith.muli %mul3A_22, %scan3A_21 : i32
      %mul3A_24 = arith.constant 128 : i32
      %mul3A_25 = arith.muli %mul3A_23, %mul3A_24 : i32
      %add3A_26 = arith.constant 128 : i32
      %add3A_27 = arith.addi %mul3A_25, %add3A_26 : i32
      %add3A_28 = arith.constant 256 : i32
      %add3A_29 = arith.addi %mul3A_25, %add3A_28 : i32
      %min3A = arith.constant 40320 : i32
      %min3A_30 = arith.minsi %add3A_29, %min3A : i32
      %add3A_31 = arith.addi %add3A, %add3A_27 : i32
      "tpu.region"() ({
        %run_scoped3A = tpu.sem_alloc : memref<!tpu.dma_semaphore, #tpu.memory_space<semaphore_mem>>
        %dma_start3A_47 = tpu.memref_slice %arg3[%add3A_31] : memref<1294336xi32, #tpu.memory_space<hbm>> -> memref<128xi32, #tpu.memory_space<hbm>>
        %dma_start3A_48 = tpu.memref_slice %arg3[%add3A_31] : memref<1294336xi32, #tpu.memory_space<hbm>> -> memref<128xi32, #tpu.memory_space<hbm>>
        tpu.enqueue_dma source(%dma_start3A_48 : memref<128xi32, #tpu.memory_space<hbm>>) target(%arg8 : memref<128xi32, #tpu.memory_space<vmem>>) target_semaphore(%run_scoped3A : memref<!tpu.dma_semaphore, #tpu.memory_space<semaphore_mem>>)
        %dma_wait3A_49 = tpu.memref_slice %arg3[%add3A_31] : memref<1294336xi32, #tpu.memory_space<hbm>> -> memref<128xi32, #tpu.memory_space<hbm>>
        %dma_wait3A_50 = tpu.memref_slice %arg3[%add3A_31] : memref<1294336xi32, #tpu.memory_space<hbm>> -> memref<128xi32, #tpu.memory_space<hbm>>
        tpu.wait_dma2 semaphore(%run_scoped3A : memref<!tpu.dma_semaphore, #tpu.memory_space<semaphore_mem>>) src(%dma_wait3A_50 : memref<128xi32, #tpu.memory_space<hbm>>) dst(%arg8 : memref<128xi32, #tpu.memory_space<vmem>>)
        tpu.yield
      }) : () -> ()
      %dma_start3A_32 = arith.constant 0 : i32
      %dma_start3A_33 = arith.constant 0 : i32
      %dma_start3A_34 = tpu.memref_slice %arg2[%dma_start3A_32, %dma_start3A_33] : memref<20480x80xf32, #tpu.memory_space<hbm>> -> memref<20480x80xf32, #tpu.memory_space<hbm>>
      tpu.enqueue_indirect_dma source(%dma_start3A_34 : memref<20480x80xf32, #tpu.memory_space<hbm>>) target(%arg12 : memref<128x80xf32, #tpu.memory_space<vmem>>) offsets(%arg8 : memref<128xi32, #tpu.memory_space<vmem>>) semaphore(%arg15 : memref<!tpu.dma_semaphore, #tpu.memory_space<semaphore_mem>>)
      %add3A_35 = arith.addi %mul3A_6, %mul3A_25 : i32
      "tpu.region"() ({
        %run_scoped3A = tpu.sem_alloc : memref<!tpu.dma_semaphore, #tpu.memory_space<semaphore_mem>>
        %dma_start3A_47 = tpu.memref_slice %arg4[%add3A_35] : memref<647168xi32, #tpu.memory_space<hbm>> -> memref<128xi32, #tpu.memory_space<hbm>>
        %dma_start3A_48 = tpu.memref_slice %arg4[%add3A_35] : memref<647168xi32, #tpu.memory_space<hbm>> -> memref<128xi32, #tpu.memory_space<hbm>>
        tpu.enqueue_dma source(%dma_start3A_48 : memref<128xi32, #tpu.memory_space<hbm>>) target(%arg9 : memref<128xi32, #tpu.memory_space<vmem>>) target_semaphore(%run_scoped3A : memref<!tpu.dma_semaphore, #tpu.memory_space<semaphore_mem>>)
        %dma_wait3A_49 = tpu.memref_slice %arg4[%add3A_35] : memref<647168xi32, #tpu.memory_space<hbm>> -> memref<128xi32, #tpu.memory_space<hbm>>
        %dma_wait3A_50 = tpu.memref_slice %arg4[%add3A_35] : memref<647168xi32, #tpu.memory_space<hbm>> -> memref<128xi32, #tpu.memory_space<hbm>>
        tpu.wait_dma2 semaphore(%run_scoped3A : memref<!tpu.dma_semaphore, #tpu.memory_space<semaphore_mem>>) src(%dma_wait3A_50 : memref<128xi32, #tpu.memory_space<hbm>>) dst(%arg9 : memref<128xi32, #tpu.memory_space<vmem>>)
        tpu.yield
      }) : () -> ()
      %dma_wait3A_36 = arith.constant 0 : i32
      %dma_wait3A_37 = arith.constant 0 : i32
      %dma_wait3A_38 = tpu.memref_slice %arg2[%dma_wait3A_36, %dma_wait3A_37] : memref<20480x80xf32, #tpu.memory_space<hbm>> -> memref<20480x80xf32, #tpu.memory_space<hbm>>
      tpu.wait_indirect_dma semaphore(%arg14 : memref<!tpu.dma_semaphore, #tpu.memory_space<semaphore_mem>>) src(%dma_wait3A_38 : memref<20480x80xf32, #tpu.memory_space<hbm>>) dst(%arg11 : memref<128x80xf32, #tpu.memory_space<vmem>>)
      "tpu.region"() ({
        %run_scoped3A = tpu.sem_alloc : memref<!tpu.dma_semaphore, #tpu.memory_space<semaphore_mem>>
        %dma_start3A_47 = arith.constant 0 : i32
        %dma_start3A_48 = arith.constant 0 : i32
        %dma_start3A_49 = tpu.memref_slice %arg13[%dma_start3A_47, %dma_start3A_48] : memref<10240x80xf32, #tpu.memory_space<vmem_shared>> -> memref<10240x80xf32, #tpu.memory_space<vmem_shared>>
        tpu.enqueue_indirect_dma source(%arg11 : memref<128x80xf32, #tpu.memory_space<vmem>>) target(%dma_start3A_49 : memref<10240x80xf32, #tpu.memory_space<vmem_shared>>) offsets(%arg9 : memref<128xi32, #tpu.memory_space<vmem>>) semaphore(%run_scoped3A : memref<!tpu.dma_semaphore, #tpu.memory_space<semaphore_mem>>) {add = true}
        %dma_wait3A_50 = arith.constant 0 : i32
        %dma_wait3A_51 = arith.constant 0 : i32
        %dma_wait3A_52 = tpu.memref_slice %arg13[%dma_wait3A_50, %dma_wait3A_51] : memref<10240x80xf32, #tpu.memory_space<vmem_shared>> -> memref<10240x80xf32, #tpu.memory_space<vmem_shared>>
        tpu.wait_indirect_dma semaphore(%run_scoped3A : memref<!tpu.dma_semaphore, #tpu.memory_space<semaphore_mem>>) src(%arg11 : memref<128x80xf32, #tpu.memory_space<vmem>>) dst(%dma_wait3A_52 : memref<10240x80xf32, #tpu.memory_space<vmem_shared>>)
        tpu.yield
      }) : () -> ()
      %add3A_39 = arith.addi %add3A, %min3A_30 : i32
      "tpu.region"() ({
        %run_scoped3A = tpu.sem_alloc : memref<!tpu.dma_semaphore, #tpu.memory_space<semaphore_mem>>
        %dma_start3A_47 = tpu.memref_slice %arg3[%add3A_39] : memref<1294336xi32, #tpu.memory_space<hbm>> -> memref<128xi32, #tpu.memory_space<hbm>>
        %dma_start3A_48 = tpu.memref_slice %arg3[%add3A_39] : memref<1294336xi32, #tpu.memory_space<hbm>> -> memref<128xi32, #tpu.memory_space<hbm>>
        tpu.enqueue_dma source(%dma_start3A_48 : memref<128xi32, #tpu.memory_space<hbm>>) target(%arg7 : memref<128xi32, #tpu.memory_space<vmem>>) target_semaphore(%run_scoped3A : memref<!tpu.dma_semaphore, #tpu.memory_space<semaphore_mem>>)
        %dma_wait3A_49 = tpu.memref_slice %arg3[%add3A_39] : memref<1294336xi32, #tpu.memory_space<hbm>> -> memref<128xi32, #tpu.memory_space<hbm>>
        %dma_wait3A_50 = tpu.memref_slice %arg3[%add3A_39] : memref<1294336xi32, #tpu.memory_space<hbm>> -> memref<128xi32, #tpu.memory_space<hbm>>
        tpu.wait_dma2 semaphore(%run_scoped3A : memref<!tpu.dma_semaphore, #tpu.memory_space<semaphore_mem>>) src(%dma_wait3A_50 : memref<128xi32, #tpu.memory_space<hbm>>) dst(%arg7 : memref<128xi32, #tpu.memory_space<vmem>>)
        tpu.yield
      }) : () -> ()
      %dma_start3A_40 = arith.constant 0 : i32
      %dma_start3A_41 = arith.constant 0 : i32
      %dma_start3A_42 = tpu.memref_slice %arg2[%dma_start3A_40, %dma_start3A_41] : memref<20480x80xf32, #tpu.memory_space<hbm>> -> memref<20480x80xf32, #tpu.memory_space<hbm>>
      tpu.enqueue_indirect_dma source(%dma_start3A_42 : memref<20480x80xf32, #tpu.memory_space<hbm>>) target(%arg11 : memref<128x80xf32, #tpu.memory_space<vmem>>) offsets(%arg7 : memref<128xi32, #tpu.memory_space<vmem>>) semaphore(%arg14 : memref<!tpu.dma_semaphore, #tpu.memory_space<semaphore_mem>>)
      %add3A_43 = arith.addi %mul3A_6, %add3A_27 : i32
      "tpu.region"() ({
        %run_scoped3A = tpu.sem_alloc : memref<!tpu.dma_semaphore, #tpu.memory_space<semaphore_mem>>
        %dma_start3A_47 = tpu.memref_slice %arg4[%add3A_43] : memref<647168xi32, #tpu.memory_space<hbm>> -> memref<128xi32, #tpu.memory_space<hbm>>
        %dma_start3A_48 = tpu.memref_slice %arg4[%add3A_43] : memref<647168xi32, #tpu.memory_space<hbm>> -> memref<128xi32, #tpu.memory_space<hbm>>
        tpu.enqueue_dma source(%dma_start3A_48 : memref<128xi32, #tpu.memory_space<hbm>>) target(%arg10 : memref<128xi32, #tpu.memory_space<vmem>>) target_semaphore(%run_scoped3A : memref<!tpu.dma_semaphore, #tpu.memory_space<semaphore_mem>>)
        %dma_wait3A_49 = tpu.memref_slice %arg4[%add3A_43] : memref<647168xi32, #tpu.memory_space<hbm>> -> memref<128xi32, #tpu.memory_space<hbm>>
        %dma_wait3A_50 = tpu.memref_slice %arg4[%add3A_43] : memref<647168xi32, #tpu.memory_space<hbm>> -> memref<128xi32, #tpu.memory_space<hbm>>
        tpu.wait_dma2 semaphore(%run_scoped3A : memref<!tpu.dma_semaphore, #tpu.memory_space<semaphore_mem>>) src(%dma_wait3A_50 : memref<128xi32, #tpu.memory_space<hbm>>) dst(%arg10 : memref<128xi32, #tpu.memory_space<vmem>>)
        tpu.yield
      }) : () -> ()
      %dma_wait3A_44 = arith.constant 0 : i32
      %dma_wait3A_45 = arith.constant 0 : i32
      %dma_wait3A_46 = tpu.memref_slice %arg2[%dma_wait3A_44, %dma_wait3A_45] : memref<20480x80xf32, #tpu.memory_space<hbm>> -> memref<20480x80xf32, #tpu.memory_space<hbm>>
      tpu.wait_indirect_dma semaphore(%arg15 : memref<!tpu.dma_semaphore, #tpu.memory_space<semaphore_mem>>) src(%dma_wait3A_46 : memref<20480x80xf32, #tpu.memory_space<hbm>>) dst(%arg12 : memref<128x80xf32, #tpu.memory_space<vmem>>)
      "tpu.region"() ({
        %run_scoped3A = tpu.sem_alloc : memref<!tpu.dma_semaphore, #tpu.memory_space<semaphore_mem>>
        %dma_start3A_47 = arith.constant 0 : i32
        %dma_start3A_48 = arith.constant 0 : i32
        %dma_start3A_49 = tpu.memref_slice %arg13[%dma_start3A_47, %dma_start3A_48] : memref<10240x80xf32, #tpu.memory_space<vmem_shared>> -> memref<10240x80xf32, #tpu.memory_space<vmem_shared>>
        tpu.enqueue_indirect_dma source(%arg12 : memref<128x80xf32, #tpu.memory_space<vmem>>) target(%dma_start3A_49 : memref<10240x80xf32, #tpu.memory_space<vmem_shared>>) offsets(%arg10 : memref<128xi32, #tpu.memory_space<vmem>>) semaphore(%run_scoped3A : memref<!tpu.dma_semaphore, #tpu.memory_space<semaphore_mem>>) {add = true}
        %dma_wait3A_50 = arith.constant 0 : i32
        %dma_wait3A_51 = arith.constant 0 : i32
        %dma_wait3A_52 = tpu.memref_slice %arg13[%dma_wait3A_50, %dma_wait3A_51] : memref<10240x80xf32, #tpu.memory_space<vmem_shared>> -> memref<10240x80xf32, #tpu.memory_space<vmem_shared>>
        tpu.wait_indirect_dma semaphore(%run_scoped3A : memref<!tpu.dma_semaphore, #tpu.memory_space<semaphore_mem>>) src(%arg12 : memref<128x80xf32, #tpu.memory_space<vmem>>) dst(%dma_wait3A_52 : memref<10240x80xf32, #tpu.memory_space<vmem_shared>>)
        tpu.yield
      }) : () -> ()
    }
    %scan3A_13 = arith.constant 158 : i32
    %dma_wait3A = arith.constant 0 : i32
    %dma_wait3A_14 = arith.constant 0 : i32
    %dma_wait3A_15 = tpu.memref_slice %arg2[%dma_wait3A, %dma_wait3A_14] : memref<20480x80xf32, #tpu.memory_space<hbm>> -> memref<20480x80xf32, #tpu.memory_space<hbm>>
    tpu.wait_indirect_dma semaphore(%arg14 : memref<!tpu.dma_semaphore, #tpu.memory_space<semaphore_mem>>) src(%dma_wait3A_15 : memref<20480x80xf32, #tpu.memory_space<hbm>>) dst(%arg11 : memref<128x80xf32, #tpu.memory_space<vmem>>)
    %barrier3A_16 = arith.constant 0 : index
    tpu.barrier barrier_id(%barrier3A_16)
    %mul3A_17 = arith.constant 640 : i32
    %mul3A_18 = arith.muli %arg1, %mul3A_17 : i32
    %mul3A_19 = arith.constant 640 : i32
    %mul3A_20 = arith.muli %arg1, %mul3A_19 : i32
    "tpu.region"() ({
      %run_scoped3A = tpu.sem_alloc : memref<!tpu.dma_semaphore, #tpu.memory_space<semaphore_mem>>
      %dma_start3A_21 = arith.constant 0 : i32
      %dma_start3A_22 = tpu.memref_slice %arg6[%arg0, %mul3A_20, %dma_start3A_21] : memref<2x10240x80xf32, #tpu.memory_space<hbm>> -> memref<1x640x80xf32, #tpu.memory_space<hbm>>
      %dma_start3A_23 = tpu.memref_squeeze %dma_start3A_22 : memref<1x640x80xf32, #tpu.memory_space<hbm>> -> memref<640x80xf32, #tpu.memory_space<hbm>>
      %dma_start3A_24 = arith.constant 0 : i32
      %dma_start3A_25 = tpu.memref_slice %arg13[%mul3A_18, %dma_start3A_24] : memref<10240x80xf32, #tpu.memory_space<vmem_shared>> -> memref<640x80xf32, #tpu.memory_space<vmem_shared>>
      tpu.enqueue_dma source(%dma_start3A_25 : memref<640x80xf32, #tpu.memory_space<vmem_shared>>) target(%dma_start3A_23 : memref<640x80xf32, #tpu.memory_space<hbm>>) target_semaphore(%run_scoped3A : memref<!tpu.dma_semaphore, #tpu.memory_space<semaphore_mem>>)
      %dma_wait3A_26 = arith.constant 0 : i32
      %dma_wait3A_27 = tpu.memref_slice %arg6[%arg0, %mul3A_20, %dma_wait3A_26] : memref<2x10240x80xf32, #tpu.memory_space<hbm>> -> memref<1x640x80xf32, #tpu.memory_space<hbm>>
      %dma_wait3A_28 = tpu.memref_squeeze %dma_wait3A_27 : memref<1x640x80xf32, #tpu.memory_space<hbm>> -> memref<640x80xf32, #tpu.memory_space<hbm>>
      %dma_wait3A_29 = arith.constant 0 : i32
      %dma_wait3A_30 = tpu.memref_slice %arg13[%mul3A_18, %dma_wait3A_29] : memref<10240x80xf32, #tpu.memory_space<vmem_shared>> -> memref<640x80xf32, #tpu.memory_space<vmem_shared>>
      tpu.wait_dma2 semaphore(%run_scoped3A : memref<!tpu.dma_semaphore, #tpu.memory_space<semaphore_mem>>) src(%dma_wait3A_30 : memref<640x80xf32, #tpu.memory_space<vmem_shared>>) dst(%dma_wait3A_28 : memref<640x80xf32, #tpu.memory_space<hbm>>)
      tpu.yield
    }) : () -> ()
    return
  }
}

#map = affine_map<(d0, d1) -> (0, 0)>
#map1 = affine_map<(d0, d1) -> (0)>
#map2 = affine_map<(d0, d1) -> (0, 0, 0)>
module attributes {stable_mosaic.version = 14 : i64} {
  func.func @sc_agg(%arg0: i32, %arg1: i32, %arg2: memref<20480x32xf32, #tpu.memory_space<hbm>>, %arg3: memref<1294336xi32, #tpu.memory_space<hbm>>, %arg4: memref<647168xi32, #tpu.memory_space<hbm>>, %arg5: memref<640x32xf32, #tpu.memory_space<hbm>>, %arg6: memref<2x10240x32xf32, #tpu.memory_space<hbm>>, %arg7: memref<128xi32, #tpu.memory_space<vmem>>, %arg8: memref<128xi32, #tpu.memory_space<vmem>>, %arg9: memref<128xi32, #tpu.memory_space<vmem>>, %arg10: memref<128xi32, #tpu.memory_space<vmem>>, %arg11: memref<128x32xf32, #tpu.memory_space<vmem>>, %arg12: memref<128x32xf32, #tpu.memory_space<vmem>>, %arg13: memref<10240x32xf32, #tpu.memory_space<vmem_shared>>, %arg14: memref<!tpu.dma_semaphore, #tpu.memory_space<semaphore_mem>>, %arg15: memref<!tpu.dma_semaphore, #tpu.memory_space<semaphore_mem>>) attributes {dimension_semantics = [#tpu.dimension_semantics<core_parallel>, #tpu.dimension_semantics<subcore_parallel>], iteration_bounds = array<i64: 2, 16>, scalar_prefetch = 0 : i64, scratch_operands = 9 : i64, tpu.core_type = #tpu.core_type<sc_vector_subcore>, window_params = [{transform_indices = #map}, {transform_indices = #map1}, {transform_indices = #map1}, {transform_indices = #map}, {transform_indices = #map2}]} {
    %mul3A = arith.constant 640 : i32
    %mul3A_0 = arith.muli %arg1, %mul3A : i32
    "tpu.region"() ({
      %run_scoped3A = tpu.sem_alloc : memref<!tpu.dma_semaphore, #tpu.memory_space<semaphore_mem>>
      %dma_start3A_21 = arith.constant 0 : i32
      %dma_start3A_22 = tpu.memref_slice %arg13[%mul3A_0, %dma_start3A_21] : memref<10240x32xf32, #tpu.memory_space<vmem_shared>> -> memref<640x32xf32, #tpu.memory_space<vmem_shared>>
      tpu.enqueue_dma source(%arg5 : memref<640x32xf32, #tpu.memory_space<hbm>>) target(%dma_start3A_22 : memref<640x32xf32, #tpu.memory_space<vmem_shared>>) target_semaphore(%run_scoped3A : memref<!tpu.dma_semaphore, #tpu.memory_space<semaphore_mem>>)
      %dma_wait3A_23 = arith.constant 0 : i32
      %dma_wait3A_24 = tpu.memref_slice %arg13[%mul3A_0, %dma_wait3A_23] : memref<10240x32xf32, #tpu.memory_space<vmem_shared>> -> memref<640x32xf32, #tpu.memory_space<vmem_shared>>
      tpu.wait_dma2 semaphore(%run_scoped3A : memref<!tpu.dma_semaphore, #tpu.memory_space<semaphore_mem>>) src(%arg5 : memref<640x32xf32, #tpu.memory_space<hbm>>) dst(%dma_wait3A_24 : memref<640x32xf32, #tpu.memory_space<vmem_shared>>)
      tpu.yield
    }) : () -> ()
    %barrier3A = arith.constant 0 : index
    tpu.barrier barrier_id(%barrier3A)
    %mul3A_1 = arith.constant 647168 : i32
    %mul3A_2 = arith.muli %arg0, %mul3A_1 : i32
    %mul3A_3 = arith.constant 40448 : i32
    %mul3A_4 = arith.muli %arg1, %mul3A_3 : i32
    %add3A = arith.addi %mul3A_2, %mul3A_4 : i32
    %mul3A_5 = arith.constant 40448 : i32
    %mul3A_6 = arith.muli %arg1, %mul3A_5 : i32
    "tpu.region"() ({
      %run_scoped3A = tpu.sem_alloc : memref<!tpu.dma_semaphore, #tpu.memory_space<semaphore_mem>>
      %dma_start3A_21 = tpu.memref_slice %arg3[%add3A] : memref<1294336xi32, #tpu.memory_space<hbm>> -> memref<128xi32, #tpu.memory_space<hbm>>
      %dma_start3A_22 = tpu.memref_slice %arg3[%add3A] : memref<1294336xi32, #tpu.memory_space<hbm>> -> memref<128xi32, #tpu.memory_space<hbm>>
      tpu.enqueue_dma source(%dma_start3A_22 : memref<128xi32, #tpu.memory_space<hbm>>) target(%arg7 : memref<128xi32, #tpu.memory_space<vmem>>) target_semaphore(%run_scoped3A : memref<!tpu.dma_semaphore, #tpu.memory_space<semaphore_mem>>)
      %dma_wait3A_23 = tpu.memref_slice %arg3[%add3A] : memref<1294336xi32, #tpu.memory_space<hbm>> -> memref<128xi32, #tpu.memory_space<hbm>>
      %dma_wait3A_24 = tpu.memref_slice %arg3[%add3A] : memref<1294336xi32, #tpu.memory_space<hbm>> -> memref<128xi32, #tpu.memory_space<hbm>>
      tpu.wait_dma2 semaphore(%run_scoped3A : memref<!tpu.dma_semaphore, #tpu.memory_space<semaphore_mem>>) src(%dma_wait3A_24 : memref<128xi32, #tpu.memory_space<hbm>>) dst(%arg7 : memref<128xi32, #tpu.memory_space<vmem>>)
      tpu.yield
    }) : () -> ()
    %dma_start3A = arith.constant 0 : i32
    %dma_start3A_7 = arith.constant 0 : i32
    %dma_start3A_8 = tpu.memref_slice %arg2[%dma_start3A, %dma_start3A_7] : memref<20480x32xf32, #tpu.memory_space<hbm>> -> memref<20480x32xf32, #tpu.memory_space<hbm>>
    tpu.enqueue_indirect_dma source(%dma_start3A_8 : memref<20480x32xf32, #tpu.memory_space<hbm>>) target(%arg11 : memref<128x32xf32, #tpu.memory_space<vmem>>) offsets(%arg7 : memref<128xi32, #tpu.memory_space<vmem>>) semaphore(%arg14 : memref<!tpu.dma_semaphore, #tpu.memory_space<semaphore_mem>>)
    %scan3A = arith.constant 0 : i32
    %scan3A_9 = arith.constant 0 : i32
    %scan3A_10 = arith.constant 158 : i32
    %scan3A_11 = arith.addi %scan3A_9, %scan3A_10 : i32
    %scan3A_12 = arith.constant 1 : i32
    scf.for %scan3A_21 = %scan3A_9 to %scan3A_11 step %scan3A_12  : i32 {
      %mul3A_22 = arith.constant 2 : i32
      %mul3A_23 = arith.muli %mul3A_22, %scan3A_21 : i32
      %mul3A_24 = arith.constant 128 : i32
      %mul3A_25 = arith.muli %mul3A_23, %mul3A_24 : i32
      %add3A_26 = arith.constant 128 : i32
      %add3A_27 = arith.addi %mul3A_25, %add3A_26 : i32
      %add3A_28 = arith.constant 256 : i32
      %add3A_29 = arith.addi %mul3A_25, %add3A_28 : i32
      %min3A = arith.constant 40320 : i32
      %min3A_30 = arith.minsi %add3A_29, %min3A : i32
      %add3A_31 = arith.addi %add3A, %add3A_27 : i32
      "tpu.region"() ({
        %run_scoped3A = tpu.sem_alloc : memref<!tpu.dma_semaphore, #tpu.memory_space<semaphore_mem>>
        %dma_start3A_47 = tpu.memref_slice %arg3[%add3A_31] : memref<1294336xi32, #tpu.memory_space<hbm>> -> memref<128xi32, #tpu.memory_space<hbm>>
        %dma_start3A_48 = tpu.memref_slice %arg3[%add3A_31] : memref<1294336xi32, #tpu.memory_space<hbm>> -> memref<128xi32, #tpu.memory_space<hbm>>
        tpu.enqueue_dma source(%dma_start3A_48 : memref<128xi32, #tpu.memory_space<hbm>>) target(%arg8 : memref<128xi32, #tpu.memory_space<vmem>>) target_semaphore(%run_scoped3A : memref<!tpu.dma_semaphore, #tpu.memory_space<semaphore_mem>>)
        %dma_wait3A_49 = tpu.memref_slice %arg3[%add3A_31] : memref<1294336xi32, #tpu.memory_space<hbm>> -> memref<128xi32, #tpu.memory_space<hbm>>
        %dma_wait3A_50 = tpu.memref_slice %arg3[%add3A_31] : memref<1294336xi32, #tpu.memory_space<hbm>> -> memref<128xi32, #tpu.memory_space<hbm>>
        tpu.wait_dma2 semaphore(%run_scoped3A : memref<!tpu.dma_semaphore, #tpu.memory_space<semaphore_mem>>) src(%dma_wait3A_50 : memref<128xi32, #tpu.memory_space<hbm>>) dst(%arg8 : memref<128xi32, #tpu.memory_space<vmem>>)
        tpu.yield
      }) : () -> ()
      %dma_start3A_32 = arith.constant 0 : i32
      %dma_start3A_33 = arith.constant 0 : i32
      %dma_start3A_34 = tpu.memref_slice %arg2[%dma_start3A_32, %dma_start3A_33] : memref<20480x32xf32, #tpu.memory_space<hbm>> -> memref<20480x32xf32, #tpu.memory_space<hbm>>
      tpu.enqueue_indirect_dma source(%dma_start3A_34 : memref<20480x32xf32, #tpu.memory_space<hbm>>) target(%arg12 : memref<128x32xf32, #tpu.memory_space<vmem>>) offsets(%arg8 : memref<128xi32, #tpu.memory_space<vmem>>) semaphore(%arg15 : memref<!tpu.dma_semaphore, #tpu.memory_space<semaphore_mem>>)
      %add3A_35 = arith.addi %mul3A_6, %mul3A_25 : i32
      "tpu.region"() ({
        %run_scoped3A = tpu.sem_alloc : memref<!tpu.dma_semaphore, #tpu.memory_space<semaphore_mem>>
        %dma_start3A_47 = tpu.memref_slice %arg4[%add3A_35] : memref<647168xi32, #tpu.memory_space<hbm>> -> memref<128xi32, #tpu.memory_space<hbm>>
        %dma_start3A_48 = tpu.memref_slice %arg4[%add3A_35] : memref<647168xi32, #tpu.memory_space<hbm>> -> memref<128xi32, #tpu.memory_space<hbm>>
        tpu.enqueue_dma source(%dma_start3A_48 : memref<128xi32, #tpu.memory_space<hbm>>) target(%arg9 : memref<128xi32, #tpu.memory_space<vmem>>) target_semaphore(%run_scoped3A : memref<!tpu.dma_semaphore, #tpu.memory_space<semaphore_mem>>)
        %dma_wait3A_49 = tpu.memref_slice %arg4[%add3A_35] : memref<647168xi32, #tpu.memory_space<hbm>> -> memref<128xi32, #tpu.memory_space<hbm>>
        %dma_wait3A_50 = tpu.memref_slice %arg4[%add3A_35] : memref<647168xi32, #tpu.memory_space<hbm>> -> memref<128xi32, #tpu.memory_space<hbm>>
        tpu.wait_dma2 semaphore(%run_scoped3A : memref<!tpu.dma_semaphore, #tpu.memory_space<semaphore_mem>>) src(%dma_wait3A_50 : memref<128xi32, #tpu.memory_space<hbm>>) dst(%arg9 : memref<128xi32, #tpu.memory_space<vmem>>)
        tpu.yield
      }) : () -> ()
      %dma_wait3A_36 = arith.constant 0 : i32
      %dma_wait3A_37 = arith.constant 0 : i32
      %dma_wait3A_38 = tpu.memref_slice %arg2[%dma_wait3A_36, %dma_wait3A_37] : memref<20480x32xf32, #tpu.memory_space<hbm>> -> memref<20480x32xf32, #tpu.memory_space<hbm>>
      tpu.wait_indirect_dma semaphore(%arg14 : memref<!tpu.dma_semaphore, #tpu.memory_space<semaphore_mem>>) src(%dma_wait3A_38 : memref<20480x32xf32, #tpu.memory_space<hbm>>) dst(%arg11 : memref<128x32xf32, #tpu.memory_space<vmem>>)
      "tpu.region"() ({
        %run_scoped3A = tpu.sem_alloc : memref<!tpu.dma_semaphore, #tpu.memory_space<semaphore_mem>>
        %dma_start3A_47 = arith.constant 0 : i32
        %dma_start3A_48 = arith.constant 0 : i32
        %dma_start3A_49 = tpu.memref_slice %arg13[%dma_start3A_47, %dma_start3A_48] : memref<10240x32xf32, #tpu.memory_space<vmem_shared>> -> memref<10240x32xf32, #tpu.memory_space<vmem_shared>>
        tpu.enqueue_indirect_dma source(%arg11 : memref<128x32xf32, #tpu.memory_space<vmem>>) target(%dma_start3A_49 : memref<10240x32xf32, #tpu.memory_space<vmem_shared>>) offsets(%arg9 : memref<128xi32, #tpu.memory_space<vmem>>) semaphore(%run_scoped3A : memref<!tpu.dma_semaphore, #tpu.memory_space<semaphore_mem>>) {add = true}
        %dma_wait3A_50 = arith.constant 0 : i32
        %dma_wait3A_51 = arith.constant 0 : i32
        %dma_wait3A_52 = tpu.memref_slice %arg13[%dma_wait3A_50, %dma_wait3A_51] : memref<10240x32xf32, #tpu.memory_space<vmem_shared>> -> memref<10240x32xf32, #tpu.memory_space<vmem_shared>>
        tpu.wait_indirect_dma semaphore(%run_scoped3A : memref<!tpu.dma_semaphore, #tpu.memory_space<semaphore_mem>>) src(%arg11 : memref<128x32xf32, #tpu.memory_space<vmem>>) dst(%dma_wait3A_52 : memref<10240x32xf32, #tpu.memory_space<vmem_shared>>)
        tpu.yield
      }) : () -> ()
      %add3A_39 = arith.addi %add3A, %min3A_30 : i32
      "tpu.region"() ({
        %run_scoped3A = tpu.sem_alloc : memref<!tpu.dma_semaphore, #tpu.memory_space<semaphore_mem>>
        %dma_start3A_47 = tpu.memref_slice %arg3[%add3A_39] : memref<1294336xi32, #tpu.memory_space<hbm>> -> memref<128xi32, #tpu.memory_space<hbm>>
        %dma_start3A_48 = tpu.memref_slice %arg3[%add3A_39] : memref<1294336xi32, #tpu.memory_space<hbm>> -> memref<128xi32, #tpu.memory_space<hbm>>
        tpu.enqueue_dma source(%dma_start3A_48 : memref<128xi32, #tpu.memory_space<hbm>>) target(%arg7 : memref<128xi32, #tpu.memory_space<vmem>>) target_semaphore(%run_scoped3A : memref<!tpu.dma_semaphore, #tpu.memory_space<semaphore_mem>>)
        %dma_wait3A_49 = tpu.memref_slice %arg3[%add3A_39] : memref<1294336xi32, #tpu.memory_space<hbm>> -> memref<128xi32, #tpu.memory_space<hbm>>
        %dma_wait3A_50 = tpu.memref_slice %arg3[%add3A_39] : memref<1294336xi32, #tpu.memory_space<hbm>> -> memref<128xi32, #tpu.memory_space<hbm>>
        tpu.wait_dma2 semaphore(%run_scoped3A : memref<!tpu.dma_semaphore, #tpu.memory_space<semaphore_mem>>) src(%dma_wait3A_50 : memref<128xi32, #tpu.memory_space<hbm>>) dst(%arg7 : memref<128xi32, #tpu.memory_space<vmem>>)
        tpu.yield
      }) : () -> ()
      %dma_start3A_40 = arith.constant 0 : i32
      %dma_start3A_41 = arith.constant 0 : i32
      %dma_start3A_42 = tpu.memref_slice %arg2[%dma_start3A_40, %dma_start3A_41] : memref<20480x32xf32, #tpu.memory_space<hbm>> -> memref<20480x32xf32, #tpu.memory_space<hbm>>
      tpu.enqueue_indirect_dma source(%dma_start3A_42 : memref<20480x32xf32, #tpu.memory_space<hbm>>) target(%arg11 : memref<128x32xf32, #tpu.memory_space<vmem>>) offsets(%arg7 : memref<128xi32, #tpu.memory_space<vmem>>) semaphore(%arg14 : memref<!tpu.dma_semaphore, #tpu.memory_space<semaphore_mem>>)
      %add3A_43 = arith.addi %mul3A_6, %add3A_27 : i32
      "tpu.region"() ({
        %run_scoped3A = tpu.sem_alloc : memref<!tpu.dma_semaphore, #tpu.memory_space<semaphore_mem>>
        %dma_start3A_47 = tpu.memref_slice %arg4[%add3A_43] : memref<647168xi32, #tpu.memory_space<hbm>> -> memref<128xi32, #tpu.memory_space<hbm>>
        %dma_start3A_48 = tpu.memref_slice %arg4[%add3A_43] : memref<647168xi32, #tpu.memory_space<hbm>> -> memref<128xi32, #tpu.memory_space<hbm>>
        tpu.enqueue_dma source(%dma_start3A_48 : memref<128xi32, #tpu.memory_space<hbm>>) target(%arg10 : memref<128xi32, #tpu.memory_space<vmem>>) target_semaphore(%run_scoped3A : memref<!tpu.dma_semaphore, #tpu.memory_space<semaphore_mem>>)
        %dma_wait3A_49 = tpu.memref_slice %arg4[%add3A_43] : memref<647168xi32, #tpu.memory_space<hbm>> -> memref<128xi32, #tpu.memory_space<hbm>>
        %dma_wait3A_50 = tpu.memref_slice %arg4[%add3A_43] : memref<647168xi32, #tpu.memory_space<hbm>> -> memref<128xi32, #tpu.memory_space<hbm>>
        tpu.wait_dma2 semaphore(%run_scoped3A : memref<!tpu.dma_semaphore, #tpu.memory_space<semaphore_mem>>) src(%dma_wait3A_50 : memref<128xi32, #tpu.memory_space<hbm>>) dst(%arg10 : memref<128xi32, #tpu.memory_space<vmem>>)
        tpu.yield
      }) : () -> ()
      %dma_wait3A_44 = arith.constant 0 : i32
      %dma_wait3A_45 = arith.constant 0 : i32
      %dma_wait3A_46 = tpu.memref_slice %arg2[%dma_wait3A_44, %dma_wait3A_45] : memref<20480x32xf32, #tpu.memory_space<hbm>> -> memref<20480x32xf32, #tpu.memory_space<hbm>>
      tpu.wait_indirect_dma semaphore(%arg15 : memref<!tpu.dma_semaphore, #tpu.memory_space<semaphore_mem>>) src(%dma_wait3A_46 : memref<20480x32xf32, #tpu.memory_space<hbm>>) dst(%arg12 : memref<128x32xf32, #tpu.memory_space<vmem>>)
      "tpu.region"() ({
        %run_scoped3A = tpu.sem_alloc : memref<!tpu.dma_semaphore, #tpu.memory_space<semaphore_mem>>
        %dma_start3A_47 = arith.constant 0 : i32
        %dma_start3A_48 = arith.constant 0 : i32
        %dma_start3A_49 = tpu.memref_slice %arg13[%dma_start3A_47, %dma_start3A_48] : memref<10240x32xf32, #tpu.memory_space<vmem_shared>> -> memref<10240x32xf32, #tpu.memory_space<vmem_shared>>
        tpu.enqueue_indirect_dma source(%arg12 : memref<128x32xf32, #tpu.memory_space<vmem>>) target(%dma_start3A_49 : memref<10240x32xf32, #tpu.memory_space<vmem_shared>>) offsets(%arg10 : memref<128xi32, #tpu.memory_space<vmem>>) semaphore(%run_scoped3A : memref<!tpu.dma_semaphore, #tpu.memory_space<semaphore_mem>>) {add = true}
        %dma_wait3A_50 = arith.constant 0 : i32
        %dma_wait3A_51 = arith.constant 0 : i32
        %dma_wait3A_52 = tpu.memref_slice %arg13[%dma_wait3A_50, %dma_wait3A_51] : memref<10240x32xf32, #tpu.memory_space<vmem_shared>> -> memref<10240x32xf32, #tpu.memory_space<vmem_shared>>
        tpu.wait_indirect_dma semaphore(%run_scoped3A : memref<!tpu.dma_semaphore, #tpu.memory_space<semaphore_mem>>) src(%arg12 : memref<128x32xf32, #tpu.memory_space<vmem>>) dst(%dma_wait3A_52 : memref<10240x32xf32, #tpu.memory_space<vmem_shared>>)
        tpu.yield
      }) : () -> ()
    }
    %scan3A_13 = arith.constant 158 : i32
    %dma_wait3A = arith.constant 0 : i32
    %dma_wait3A_14 = arith.constant 0 : i32
    %dma_wait3A_15 = tpu.memref_slice %arg2[%dma_wait3A, %dma_wait3A_14] : memref<20480x32xf32, #tpu.memory_space<hbm>> -> memref<20480x32xf32, #tpu.memory_space<hbm>>
    tpu.wait_indirect_dma semaphore(%arg14 : memref<!tpu.dma_semaphore, #tpu.memory_space<semaphore_mem>>) src(%dma_wait3A_15 : memref<20480x32xf32, #tpu.memory_space<hbm>>) dst(%arg11 : memref<128x32xf32, #tpu.memory_space<vmem>>)
    %barrier3A_16 = arith.constant 0 : index
    tpu.barrier barrier_id(%barrier3A_16)
    %mul3A_17 = arith.constant 640 : i32
    %mul3A_18 = arith.muli %arg1, %mul3A_17 : i32
    %mul3A_19 = arith.constant 640 : i32
    %mul3A_20 = arith.muli %arg1, %mul3A_19 : i32
    "tpu.region"() ({
      %run_scoped3A = tpu.sem_alloc : memref<!tpu.dma_semaphore, #tpu.memory_space<semaphore_mem>>
      %dma_start3A_21 = arith.constant 0 : i32
      %dma_start3A_22 = tpu.memref_slice %arg6[%arg0, %mul3A_20, %dma_start3A_21] : memref<2x10240x32xf32, #tpu.memory_space<hbm>> -> memref<1x640x32xf32, #tpu.memory_space<hbm>>
      %dma_start3A_23 = tpu.memref_squeeze %dma_start3A_22 : memref<1x640x32xf32, #tpu.memory_space<hbm>> -> memref<640x32xf32, #tpu.memory_space<hbm>>
      %dma_start3A_24 = arith.constant 0 : i32
      %dma_start3A_25 = tpu.memref_slice %arg13[%mul3A_18, %dma_start3A_24] : memref<10240x32xf32, #tpu.memory_space<vmem_shared>> -> memref<640x32xf32, #tpu.memory_space<vmem_shared>>
      tpu.enqueue_dma source(%dma_start3A_25 : memref<640x32xf32, #tpu.memory_space<vmem_shared>>) target(%dma_start3A_23 : memref<640x32xf32, #tpu.memory_space<hbm>>) target_semaphore(%run_scoped3A : memref<!tpu.dma_semaphore, #tpu.memory_space<semaphore_mem>>)
      %dma_wait3A_26 = arith.constant 0 : i32
      %dma_wait3A_27 = tpu.memref_slice %arg6[%arg0, %mul3A_20, %dma_wait3A_26] : memref<2x10240x32xf32, #tpu.memory_space<hbm>> -> memref<1x640x32xf32, #tpu.memory_space<hbm>>
      %dma_wait3A_28 = tpu.memref_squeeze %dma_wait3A_27 : memref<1x640x32xf32, #tpu.memory_space<hbm>> -> memref<640x32xf32, #tpu.memory_space<hbm>>
      %dma_wait3A_29 = arith.constant 0 : i32
      %dma_wait3A_30 = tpu.memref_slice %arg13[%mul3A_18, %dma_wait3A_29] : memref<10240x32xf32, #tpu.memory_space<vmem_shared>> -> memref<640x32xf32, #tpu.memory_space<vmem_shared>>
      tpu.wait_dma2 semaphore(%run_scoped3A : memref<!tpu.dma_semaphore, #tpu.memory_space<semaphore_mem>>) src(%dma_wait3A_30 : memref<640x32xf32, #tpu.memory_space<vmem_shared>>) dst(%dma_wait3A_28 : memref<640x32xf32, #tpu.memory_space<hbm>>)
      tpu.yield
    }) : () -> ()
    return
  }
}

module attributes {stable_mosaic.version = 14 : i64} {
  func.func @_prep_body(%arg0: i32, %arg1: memref<1280x140xf32, #tpu.memory_space<vmem>>, %arg2: memref<1280x1xi32, #tpu.memory_space<vmem>>, %arg3: memref<120x8xf32, #tpu.memory_space<vmem>>, %arg4: memref<2x1280x80xf32, #tpu.memory_space<vmem>>) attributes {dimension_semantics = [#tpu.dimension_semantics<arbitrary>], iteration_bounds = array<i64: 8>, scalar_prefetch = 0 : i64, scratch_operands = 0 : i64, tpu.core_type = #tpu.core_type<tc>, window_params = [{transform_indices = @transform_0, window_bounds = array<i64: 1280, 140>}, {transform_indices = @transform_1, window_bounds = array<i64: 1280, 1>}, {pipeline_mode = #tpu.pipeline_mode<synchronous>, transform_indices = @transform_2, window_bounds = array<i64: 120, 8>}, {transform_indices = @transform_3, window_bounds = array<i64: 2, 1280, 80>}]} {
    %get3A = arith.constant 0 : index
    %get3A_0 = arith.constant 0 : index
    %get3A_1 = vector.load %arg1[%get3A, %get3A_0] : memref<1280x140xf32, #tpu.memory_space<vmem>>, vector<1280x140xf32>
    %get3A_2 = arith.constant 0 : index
    %get3A_3 = arith.constant 0 : index
    %get3A_4 = vector.load %arg2[%get3A_2, %get3A_3] : memref<1280x1xi32, #tpu.memory_space<vmem>>, vector<1280x1xi32>
    %iota3A = tpu.iota {dimensions = array<i32: 1>} : vector<1x120xi32>
    %eq3A = vector.broadcast %get3A_4 : vector<1280x1xi32> to vector<1280x120xi32>
    %eq3A_5 = vector.broadcast %iota3A : vector<1x120xi32> to vector<1280x120xi32>
    %eq3A_6 = arith.cmpi eq, %eq3A, %eq3A_5 : vector<1280x120xi32>
    %convert_element_type3A = arith.extui %eq3A_6 : vector<1280x120xi1> to vector<1280x120xi32>
    %convert_element_type3A_7 = arith.sitofp %convert_element_type3A : vector<1280x120xi32> to vector<1280x120xf32>
    %get3A_8 = arith.constant 0 : index
    %get3A_9 = arith.constant 0 : index
    %get3A_10 = vector.load %arg3[%get3A_8, %get3A_9] : memref<120x8xf32, #tpu.memory_space<vmem>>, vector<120x8xf32>
    %dot_general3A = arith.constant dense<0.000000e+00> : vector<1280x8xf32>
    %dot_general3A_11 = tpu.matmul %convert_element_type3A_7, %get3A_10, %dot_general3A {dimension_numbers = #tpu.dot_dimension_numbers<[1], [0], [0], [1], [0, 0, 1, 1], [], []>, precision = #tpu.contract_precision<fp32>, transpose_lhs_hint = false} : vector<1280x120xf32>, vector<120x8xf32>, vector<1280x8xf32> -> vector<1280x8xf32>
    %mul3A = arith.constant 1280 : i32
    %mul3A_12 = arith.muli %arg0, %mul3A : i32
    %iota3A_13 = tpu.iota {dimensions = array<i32: 0>} : vector<1280x1xi32>
    %add3A = vector.broadcast %mul3A_12 : i32 to vector<1280x1xi32>
    %add3A_14 = arith.addi %add3A, %iota3A_13 : vector<1280x1xi32>
    %lt3A = arith.constant 10000 : i32
    %lt3A_15 = vector.broadcast %lt3A : i32 to vector<1280x1xi32>
    %lt3A_16 = arith.cmpi slt, %add3A_14, %lt3A_15 : vector<1280x1xi32>
    %jit3A = arith.constant 1.000000e+00 : f32
    %jit3A_17 = arith.constant 0.000000e+00 : f32
    %broadcast_in_dim3A = vector.broadcast %jit3A : f32 to vector<1280x1xf32>
    %broadcast_in_dim3A_18 = vector.broadcast %jit3A_17 : f32 to vector<1280x1xf32>
    %select_n3A = arith.select %lt3A_16, %broadcast_in_dim3A, %broadcast_in_dim3A_18 : vector<1280x1xi1>, vector<1280x1xf32>
    %broadcast_in_dim3A_19 = arith.constant 0.000000e+00 : f32
    %broadcast_in_dim3A_20 = vector.broadcast %broadcast_in_dim3A_19 : f32 to vector<1280x11xf32>
    %concatenate3A = tpu.concatenate %get3A_1, %dot_general3A_11, %select_n3A, %broadcast_in_dim3A_20 in 1 : vector<1280x140xf32>, vector<1280x8xf32>, vector<1280x1xf32>, vector<1280x11xf32> -> vector<1280x160xf32>
    %slice3A = vector.extract_strided_slice %concatenate3A {offsets = [0, 0], sizes = [1280, 80], strides = [1, 1]} : vector<1280x160xf32> to vector<1280x80xf32>
    %swap3A = arith.constant 0 : index
    %swap3A_21 = arith.constant 0 : index
    %swap3A_22 = arith.constant 0 : index
    %swap3A_23 = vector.load %arg4[%swap3A, %swap3A_21, %swap3A_22] : memref<2x1280x80xf32, #tpu.memory_space<vmem>>, vector<1x1280x80xf32>
    %swap3A_24 = vector.shape_cast %swap3A_23 : vector<1x1280x80xf32> to vector<1280x80xf32>
    %swap3A_25 = vector.shape_cast %slice3A : vector<1280x80xf32> to vector<1x1280x80xf32>
    tpu.vector_store %arg4[%swap3A, %swap3A_21, %swap3A_22], %swap3A_25 {strides = array<i32>} : memref<2x1280x80xf32, #tpu.memory_space<vmem>>, vector<1x1280x80xf32>,
    %slice3A_26 = vector.extract_strided_slice %concatenate3A {offsets = [0, 80], sizes = [1280, 80], strides = [1, 1]} : vector<1280x160xf32> to vector<1280x80xf32>
    %swap3A_27 = arith.constant 1 : index
    %swap3A_28 = arith.constant 0 : index
    %swap3A_29 = arith.constant 0 : index
    %swap3A_30 = vector.load %arg4[%swap3A_27, %swap3A_28, %swap3A_29] : memref<2x1280x80xf32, #tpu.memory_space<vmem>>, vector<1x1280x80xf32>
    %swap3A_31 = vector.shape_cast %swap3A_30 : vector<1x1280x80xf32> to vector<1280x80xf32>
    %swap3A_32 = vector.shape_cast %slice3A_26 : vector<1280x80xf32> to vector<1x1280x80xf32>
    tpu.vector_store %arg4[%swap3A_27, %swap3A_28, %swap3A_29], %swap3A_32 {strides = array<i32>} : memref<2x1280x80xf32, #tpu.memory_space<vmem>>, vector<1x1280x80xf32>,
    return
  }
  func.func @transform_0(%arg0: i32) -> (i32, i32) {
    %c0_i32 = arith.constant 0 : i32
    %c0_i32_0 = arith.constant 0 : i32
    return %arg0, %c0_i32 : i32, i32
  }
  func.func @transform_1(%arg0: i32) -> (i32, i32) {
    %c0_i32 = arith.constant 0 : i32
    %c0_i32_0 = arith.constant 0 : i32
    return %arg0, %c0_i32 : i32, i32
  }
  func.func @transform_2(%arg0: i32) -> (i32, i32) {
    %c0_i32 = arith.constant 0 : i32
    %c0_i32_0 = arith.constant 0 : i32
    %c0_i32_1 = arith.constant 0 : i32
    return %c0_i32, %c0_i32_0 : i32, i32
  }
  func.func @transform_3(%arg0: i32) -> (i32, i32, i32) {
    %c0_i32 = arith.constant 0 : i32
    %c0_i32_0 = arith.constant 0 : i32
    %c0_i32_1 = arith.constant 0 : i32
    return %c0_i32, %arg0, %c0_i32_0 : i32, i32, i32
  }
}

module attributes {stable_mosaic.version = 14 : i64} {
  func.func @_layer0_body(%arg0: i32, %arg1: memref<1x1280x80xf32, #tpu.memory_space<vmem>>, %arg2: memref<1x1280x80xf32, #tpu.memory_space<vmem>>, %arg3: memref<1x1280x80xf32, #tpu.memory_space<vmem>>, %arg4: memref<1x1280x80xf32, #tpu.memory_space<vmem>>, %arg5: memref<148x148xf32, #tpu.memory_space<vmem>>, %arg6: memref<1x148xf32, #tpu.memory_space<vmem>>, %arg7: memref<148x148xf32, #tpu.memory_space<vmem>>, %arg8: memref<296x64xf32, #tpu.memory_space<vmem>>, %arg9: memref<1x64xf32, #tpu.memory_space<vmem>>, %arg10: memref<2x1280x32xf32, #tpu.memory_space<vmem>>, %arg11: memref<1280x1xf32, #tpu.memory_space<vmem>>) attributes {dimension_semantics = [#tpu.dimension_semantics<arbitrary>], iteration_bounds = array<i64: 8>, scalar_prefetch = 0 : i64, scratch_operands = 0 : i64, tpu.core_type = #tpu.core_type<tc>, window_params = [{transform_indices = @transform_0, window_bounds = array<i64: 1, 1280, 80>}, {transform_indices = @transform_1, window_bounds = array<i64: 1, 1280, 80>}, {transform_indices = @transform_2, window_bounds = array<i64: 1, 1280, 80>}, {transform_indices = @transform_3, window_bounds = array<i64: 1, 1280, 80>}, {pipeline_mode = #tpu.pipeline_mode<synchronous>, transform_indices = @transform_4, window_bounds = array<i64: 148, 148>}, {pipeline_mode = #tpu.pipeline_mode<synchronous>, transform_indices = @transform_5, window_bounds = array<i64: 1, 148>}, {pipeline_mode = #tpu.pipeline_mode<synchronous>, transform_indices = @transform_6, window_bounds = array<i64: 148, 148>}, {pipeline_mode = #tpu.pipeline_mode<synchronous>, transform_indices = @transform_7, window_bounds = array<i64: 296, 64>}, {pipeline_mode = #tpu.pipeline_mode<synchronous>, transform_indices = @transform_8, window_bounds = array<i64: 1, 64>}, {transform_indices = @transform_9, window_bounds = array<i64: 2, 1280, 32>}, {transform_indices = @transform_10, window_bounds = array<i64: 1280, 1>}]} {
    %get3A = arith.constant 0 : index
    %get3A_0 = arith.constant 0 : index
    %get3A_1 = arith.constant 0 : index
    %get3A_2 = vector.load %arg1[%get3A, %get3A_0, %get3A_1] : memref<1x1280x80xf32, #tpu.memory_space<vmem>>, vector<1x1280x80xf32>
    %get3A_3 = vector.shape_cast %get3A_2 : vector<1x1280x80xf32> to vector<1280x80xf32>
    %get3A_4 = arith.constant 0 : index
    %get3A_5 = arith.constant 0 : index
    %get3A_6 = arith.constant 0 : index
    %get3A_7 = vector.load %arg2[%get3A_4, %get3A_5, %get3A_6] : memref<1x1280x80xf32, #tpu.memory_space<vmem>>, vector<1x1280x80xf32>
    %get3A_8 = vector.shape_cast %get3A_7 : vector<1x1280x80xf32> to vector<1280x80xf32>
    %concatenate3A = tpu.concatenate %get3A_3, %get3A_8 in 1 : vector<1280x80xf32>, vector<1280x80xf32> -> vector<1280x160xf32>
    %get3A_9 = arith.constant 0 : index
    %get3A_10 = arith.constant 0 : index
    %get3A_11 = arith.constant 0 : index
    %get3A_12 = vector.load %arg3[%get3A_9, %get3A_10, %get3A_11] : memref<1x1280x80xf32, #tpu.memory_space<vmem>>, vector<1x1280x80xf32>
    %get3A_13 = vector.shape_cast %get3A_12 : vector<1x1280x80xf32> to vector<1280x80xf32>
    %get3A_14 = arith.constant 0 : index
    %get3A_15 = arith.constant 0 : index
    %get3A_16 = arith.constant 0 : index
    %get3A_17 = vector.load %arg4[%get3A_14, %get3A_15, %get3A_16] : memref<1x1280x80xf32, #tpu.memory_space<vmem>>, vector<1x1280x80xf32>
    %get3A_18 = vector.shape_cast %get3A_17 : vector<1x1280x80xf32> to vector<1280x80xf32>
    %concatenate3A_19 = tpu.concatenate %get3A_13, %get3A_18 in 1 : vector<1280x80xf32>, vector<1280x80xf32> -> vector<1280x160xf32>
    %slice3A = vector.extract_strided_slice %concatenate3A_19 {offsets = [0, 0], sizes = [1280, 148], strides = [1, 1]} : vector<1280x160xf32> to vector<1280x148xf32>
    %slice3A_20 = vector.extract_strided_slice %concatenate3A {offsets = [0, 148], sizes = [1280, 1], strides = [1, 1]} : vector<1280x160xf32> to vector<1280x1xf32>
    %slice3A_21 = vector.extract_strided_slice %concatenate3A {offsets = [0, 0], sizes = [1280, 148], strides = [1, 1]} : vector<1280x160xf32> to vector<1280x148xf32>
    %get3A_22 = arith.constant 0 : index
    %get3A_23 = arith.constant 0 : index
    %get3A_24 = vector.load %arg5[%get3A_22, %get3A_23] : memref<148x148xf32, #tpu.memory_space<vmem>>, vector<148x148xf32>
    %get3A_25 = arith.constant 0 : index
    %get3A_26 = arith.constant 0 : index
    %get3A_27 = vector.load %arg6[%get3A_25, %get3A_26] : memref<1x148xf32, #tpu.memory_space<vmem>>, vector<1x148xf32>
    %get3A_28 = arith.constant 0 : index
    %get3A_29 = arith.constant 0 : index
    %get3A_30 = vector.load %arg7[%get3A_28, %get3A_29] : memref<148x148xf32, #tpu.memory_space<vmem>>, vector<148x148xf32>
    %get3A_31 = arith.constant 0 : index
    %get3A_32 = arith.constant 0 : index
    %get3A_33 = vector.load %arg8[%get3A_31, %get3A_32] : memref<296x64xf32, #tpu.memory_space<vmem>>, vector<296x64xf32>
    %get3A_34 = arith.constant 0 : index
    %get3A_35 = arith.constant 0 : index
    %get3A_36 = vector.load %arg9[%get3A_34, %get3A_35] : memref<1x64xf32, #tpu.memory_space<vmem>>, vector<1x64xf32>
    %max3A = arith.constant 1.000000e+00 : f32
    %max3A_37 = vector.broadcast %max3A : f32 to vector<1280x1xf32>
    %max3A_38 = arith.maximumf %slice3A_20, %max3A_37 : vector<1280x1xf32>
    %div3A = vector.broadcast %max3A_38 : vector<1280x1xf32> to vector<1280x148xf32>
    %div3A_39 = arith.divf %slice3A_21, %div3A : vector<1280x148xf32>
    %convert_element_type3A = arith.truncf %div3A_39 : vector<1280x148xf32> to vector<1280x148xbf16>
    %convert_element_type3A_40 = arith.truncf %get3A_24 : vector<148x148xf32> to vector<148x148xbf16>
    %dot_general3A = arith.constant dense<0.000000e+00> : vector<1280x148xf32>
    %dot_general3A_41 = tpu.matmul %convert_element_type3A, %convert_element_type3A_40, %dot_general3A {dimension_numbers = #tpu.dot_dimension_numbers<[1], [0], [0], [1], [0, 0, 1, 1], [], []>, transpose_lhs_hint = false} : vector<1280x148xbf16>, vector<148x148xbf16>, vector<1280x148xf32> -> vector<1280x148xf32>
    %add3A = vector.broadcast %get3A_27 : vector<1x148xf32> to vector<1280x148xf32>
    %add3A_42 = arith.addf %dot_general3A_41, %add3A : vector<1280x148xf32>
    %convert_element_type3A_43 = arith.truncf %slice3A : vector<1280x148xf32> to vector<1280x148xbf16>
    %convert_element_type3A_44 = arith.truncf %get3A_30 : vector<148x148xf32> to vector<148x148xbf16>
    %dot_general3A_45 = arith.constant dense<0.000000e+00> : vector<1280x148xf32>
    %dot_general3A_46 = tpu.matmul %convert_element_type3A_43, %convert_element_type3A_44, %dot_general3A_45 {dimension_numbers = #tpu.dot_dimension_numbers<[1], [0], [0], [1], [0, 0, 1, 1], [], []>, transpose_lhs_hint = false} : vector<1280x148xbf16>, vector<148x148xbf16>, vector<1280x148xf32> -> vector<1280x148xf32>
    %add3A_47 = arith.addf %add3A_42, %dot_general3A_46 : vector<1280x148xf32>
    %mul3A = arith.mulf %add3A_47, %add3A_47 : vector<1280x148xf32>
    %reduce_sum3A = arith.constant dense<0.000000e+00> : vector<1280xf32>
    %reduce_sum3A_48 = vector.multi_reduction <add>, %mul3A, %reduce_sum3A [1] : vector<1280x148xf32> to vector<1280xf32>
    %broadcast_in_dim3A = vector.shape_cast %reduce_sum3A_48 : vector<1280xf32> to vector<1280x1xf32>
    %sqrt3A = math.sqrt %broadcast_in_dim3A : vector<1280x1xf32>
    %max3A_49 = arith.constant 9.99999996E-13 : f32
    %max3A_50 = vector.broadcast %max3A_49 : f32 to vector<1280x1xf32>
    %max3A_51 = arith.maximumf %sqrt3A, %max3A_50 : vector<1280x1xf32>
    %div3A_52 = vector.broadcast %max3A_51 : vector<1280x1xf32> to vector<1280x148xf32>
    %div3A_53 = arith.divf %add3A_47, %div3A_52 : vector<1280x148xf32>
    %concatenate3A_54 = tpu.concatenate %div3A_53, %slice3A in 1 : vector<1280x148xf32>, vector<1280x148xf32> -> vector<1280x296xf32>
    %convert_element_type3A_55 = arith.truncf %concatenate3A_54 : vector<1280x296xf32> to vector<1280x296xbf16>
    %convert_element_type3A_56 = arith.truncf %get3A_33 : vector<296x64xf32> to vector<296x64xbf16>
    %dot_general3A_57 = arith.constant dense<0.000000e+00> : vector<1280x64xf32>
    %dot_general3A_58 = tpu.matmul %convert_element_type3A_55, %convert_element_type3A_56, %dot_general3A_57 {dimension_numbers = #tpu.dot_dimension_numbers<[1], [0], [0], [1], [0, 0, 1, 1], [], []>, transpose_lhs_hint = false} : vector<1280x296xbf16>, vector<296x64xbf16>, vector<1280x64xf32> -> vector<1280x64xf32>
    %add3A_59 = vector.broadcast %get3A_36 : vector<1x64xf32> to vector<1280x64xf32>
    %add3A_60 = arith.addf %dot_general3A_58, %add3A_59 : vector<1280x64xf32>
    %gt3A = arith.constant 0.000000e+00 : f32
    %gt3A_61 = vector.broadcast %gt3A : f32 to vector<1280x64xf32>
    %gt3A_62 = arith.cmpf ogt, %add3A_60, %gt3A_61 : vector<1280x64xf32>
    %mul3A_63 = arith.constant 0.00999999977 : f32
    %mul3A_64 = vector.broadcast %mul3A_63 : f32 to vector<1280x64xf32>
    %mul3A_65 = arith.mulf %mul3A_64, %add3A_60 : vector<1280x64xf32>
    %select_n3A = arith.select %gt3A_62, %add3A_60, %mul3A_65 : vector<1280x64xi1>, vector<1280x64xf32>
    %mul3A_66 = arith.constant 1280 : i32
    %mul3A_67 = arith.muli %arg0, %mul3A_66 : i32
    %iota3A = tpu.iota {dimensions = array<i32: 0>} : vector<1280x1xi32>
    %add3A_68 = vector.broadcast %mul3A_67 : i32 to vector<1280x1xi32>
    %add3A_69 = arith.addi %add3A_68, %iota3A : vector<1280x1xi32>
    %lt3A = arith.constant 10000 : i32
    %lt3A_70 = vector.broadcast %lt3A : i32 to vector<1280x1xi32>
    %lt3A_71 = arith.cmpi slt, %add3A_69, %lt3A_70 : vector<1280x1xi32>
    %jit3A = arith.constant 0.000000e+00 : f32
    %broadcast_in_dim3A_72 = vector.shape_cast %lt3A_71 : vector<1280x1xi1> to vector<1280x1xi1>
    %broadcast_in_dim3A_73 = vector.broadcast %broadcast_in_dim3A_72 : vector<1280x1xi1> to vector<1280x64xi1>
    %broadcast_in_dim3A_74 = vector.broadcast %jit3A : f32 to vector<1280x64xf32>
    %select_n3A_75 = arith.select %broadcast_in_dim3A_73, %select_n3A, %broadcast_in_dim3A_74 : vector<1280x64xi1>, vector<1280x64xf32>
    %slice3A_76 = vector.extract_strided_slice %select_n3A_75 {offsets = [0, 0], sizes = [1280, 32], strides = [1, 1]} : vector<1280x64xf32> to vector<1280x32xf32>
    %swap3A = arith.constant 0 : index
    %swap3A_77 = arith.constant 0 : index
    %swap3A_78 = arith.constant 0 : index
    %swap3A_79 = vector.load %arg10[%swap3A, %swap3A_77, %swap3A_78] : memref<2x1280x32xf32, #tpu.memory_space<vmem>>, vector<1x1280x32xf32>
    %swap3A_80 = vector.shape_cast %swap3A_79 : vector<1x1280x32xf32> to vector<1280x32xf32>
    %swap3A_81 = vector.shape_cast %slice3A_76 : vector<1280x32xf32> to vector<1x1280x32xf32>
    tpu.vector_store %arg10[%swap3A, %swap3A_77, %swap3A_78], %swap3A_81 {strides = array<i32>} : memref<2x1280x32xf32, #tpu.memory_space<vmem>>, vector<1x1280x32xf32>,
    %slice3A_82 = vector.extract_strided_slice %select_n3A_75 {offsets = [0, 32], sizes = [1280, 32], strides = [1, 1]} : vector<1280x64xf32> to vector<1280x32xf32>
    %swap3A_83 = arith.constant 1 : index
    %swap3A_84 = arith.constant 0 : index
    %swap3A_85 = arith.constant 0 : index
    %swap3A_86 = vector.load %arg10[%swap3A_83, %swap3A_84, %swap3A_85] : memref<2x1280x32xf32, #tpu.memory_space<vmem>>, vector<1x1280x32xf32>
    %swap3A_87 = vector.shape_cast %swap3A_86 : vector<1x1280x32xf32> to vector<1280x32xf32>
    %swap3A_88 = vector.shape_cast %slice3A_82 : vector<1280x32xf32> to vector<1x1280x32xf32>
    tpu.vector_store %arg10[%swap3A_83, %swap3A_84, %swap3A_85], %swap3A_88 {strides = array<i32>} : memref<2x1280x32xf32, #tpu.memory_space<vmem>>, vector<1x1280x32xf32>,
    %jit3A_89 = arith.constant 0.000000e+00 : f32
    %broadcast_in_dim3A_90 = vector.broadcast %jit3A_89 : f32 to vector<1280x1xf32>
    %select_n3A_91 = arith.select %lt3A_71, %slice3A_20, %broadcast_in_dim3A_90 : vector<1280x1xi1>, vector<1280x1xf32>
    %swap3A_92 = arith.constant 0 : index
    %swap3A_93 = arith.constant 0 : index
    %swap3A_94 = vector.load %arg11[%swap3A_92, %swap3A_93] : memref<1280x1xf32, #tpu.memory_space<vmem>>, vector<1280x1xf32>
    tpu.vector_store %arg11[%swap3A_92, %swap3A_93], %select_n3A_91 {strides = array<i32>} : memref<1280x1xf32, #tpu.memory_space<vmem>>, vector<1280x1xf32>,
    return
  }
  func.func @transform_0(%arg0: i32) -> (i32, i32, i32) {
    %c0_i32 = arith.constant 0 : i32
    %c0_i32_0 = arith.constant 0 : i32
    %c0_i32_1 = arith.constant 0 : i32
    return %c0_i32, %arg0, %c0_i32_0 : i32, i32, i32
  }
  func.func @transform_1(%arg0: i32) -> (i32, i32, i32) {
    %c1_i32 = arith.constant 1 : i32
    %c0_i32 = arith.constant 0 : i32
    %c0_i32_0 = arith.constant 0 : i32
    return %c1_i32, %arg0, %c0_i32 : i32, i32, i32
  }
  func.func @transform_2(%arg0: i32) -> (i32, i32, i32) {
    %c0_i32 = arith.constant 0 : i32
    %c0_i32_0 = arith.constant 0 : i32
    %c0_i32_1 = arith.constant 0 : i32
    return %c0_i32, %arg0, %c0_i32_0 : i32, i32, i32
  }
  func.func @transform_3(%arg0: i32) -> (i32, i32, i32) {
    %c1_i32 = arith.constant 1 : i32
    %c0_i32 = arith.constant 0 : i32
    %c0_i32_0 = arith.constant 0 : i32
    return %c1_i32, %arg0, %c0_i32 : i32, i32, i32
  }
  func.func @transform_4(%arg0: i32) -> (i32, i32) {
    %c0_i32 = arith.constant 0 : i32
    %c0_i32_0 = arith.constant 0 : i32
    %c0_i32_1 = arith.constant 0 : i32
    return %c0_i32, %c0_i32_0 : i32, i32
  }
  func.func @transform_5(%arg0: i32) -> (i32, i32) {
    %c0_i32 = arith.constant 0 : i32
    %c0_i32_0 = arith.constant 0 : i32
    %c0_i32_1 = arith.constant 0 : i32
    return %c0_i32, %c0_i32_0 : i32, i32
  }
  func.func @transform_6(%arg0: i32) -> (i32, i32) {
    %c0_i32 = arith.constant 0 : i32
    %c0_i32_0 = arith.constant 0 : i32
    %c0_i32_1 = arith.constant 0 : i32
    return %c0_i32, %c0_i32_0 : i32, i32
  }
  func.func @transform_7(%arg0: i32) -> (i32, i32) {
    %c0_i32 = arith.constant 0 : i32
    %c0_i32_0 = arith.constant 0 : i32
    %c0_i32_1 = arith.constant 0 : i32
    return %c0_i32, %c0_i32_0 : i32, i32
  }
  func.func @transform_8(%arg0: i32) -> (i32, i32) {
    %c0_i32 = arith.constant 0 : i32
    %c0_i32_0 = arith.constant 0 : i32
    %c0_i32_1 = arith.constant 0 : i32
    return %c0_i32, %c0_i32_0 : i32, i32
  }
  func.func @transform_9(%arg0: i32) -> (i32, i32, i32) {
    %c0_i32 = arith.constant 0 : i32
    %c0_i32_0 = arith.constant 0 : i32
    %c0_i32_1 = arith.constant 0 : i32
    return %c0_i32, %arg0, %c0_i32_0 : i32, i32, i32
  }
  func.func @transform_10(%arg0: i32) -> (i32, i32) {
    %c0_i32 = arith.constant 0 : i32
    %c0_i32_0 = arith.constant 0 : i32
    return %arg0, %c0_i32 : i32, i32
  }
}

module attributes {stable_mosaic.version = 14 : i64} {
  func.func @_layer_mid_body(%arg0: i32, %arg1: memref<1x1280x32xf32, #tpu.memory_space<vmem>>, %arg2: memref<1x1280x32xf32, #tpu.memory_space<vmem>>, %arg3: memref<1x1280x32xf32, #tpu.memory_space<vmem>>, %arg4: memref<1x1280x32xf32, #tpu.memory_space<vmem>>, %arg5: memref<1280x1xf32, #tpu.memory_space<vmem>>, %arg6: memref<64x64xf32, #tpu.memory_space<vmem>>, %arg7: memref<1x64xf32, #tpu.memory_space<vmem>>, %arg8: memref<64x64xf32, #tpu.memory_space<vmem>>, %arg9: memref<128x64xf32, #tpu.memory_space<vmem>>, %arg10: memref<1x64xf32, #tpu.memory_space<vmem>>, %arg11: memref<2x1280x32xf32, #tpu.memory_space<vmem>>) attributes {dimension_semantics = [#tpu.dimension_semantics<arbitrary>], iteration_bounds = array<i64: 8>, scalar_prefetch = 0 : i64, scratch_operands = 0 : i64, tpu.core_type = #tpu.core_type<tc>, window_params = [{transform_indices = @transform_0, window_bounds = array<i64: 1, 1280, 32>}, {transform_indices = @transform_1, window_bounds = array<i64: 1, 1280, 32>}, {transform_indices = @transform_2, window_bounds = array<i64: 1, 1280, 32>}, {transform_indices = @transform_3, window_bounds = array<i64: 1, 1280, 32>}, {transform_indices = @transform_4, window_bounds = array<i64: 1280, 1>}, {pipeline_mode = #tpu.pipeline_mode<synchronous>, transform_indices = @transform_5, window_bounds = array<i64: 64, 64>}, {pipeline_mode = #tpu.pipeline_mode<synchronous>, transform_indices = @transform_6, window_bounds = array<i64: 1, 64>}, {pipeline_mode = #tpu.pipeline_mode<synchronous>, transform_indices = @transform_7, window_bounds = array<i64: 64, 64>}, {pipeline_mode = #tpu.pipeline_mode<synchronous>, transform_indices = @transform_8, window_bounds = array<i64: 128, 64>}, {pipeline_mode = #tpu.pipeline_mode<synchronous>, transform_indices = @transform_9, window_bounds = array<i64: 1, 64>}, {transform_indices = @transform_10, window_bounds = array<i64: 2, 1280, 32>}]} {
    %get3A = arith.constant 0 : index
    %get3A_0 = arith.constant 0 : index
    %get3A_1 = arith.constant 0 : index
    %get3A_2 = vector.load %arg1[%get3A, %get3A_0, %get3A_1] : memref<1x1280x32xf32, #tpu.memory_space<vmem>>, vector<1x1280x32xf32>
    %get3A_3 = vector.shape_cast %get3A_2 : vector<1x1280x32xf32> to vector<1280x32xf32>
    %get3A_4 = arith.constant 0 : index
    %get3A_5 = arith.constant 0 : index
    %get3A_6 = arith.constant 0 : index
    %get3A_7 = vector.load %arg2[%get3A_4, %get3A_5, %get3A_6] : memref<1x1280x32xf32, #tpu.memory_space<vmem>>, vector<1x1280x32xf32>
    %get3A_8 = vector.shape_cast %get3A_7 : vector<1x1280x32xf32> to vector<1280x32xf32>
    %concatenate3A = tpu.concatenate %get3A_3, %get3A_8 in 1 : vector<1280x32xf32>, vector<1280x32xf32> -> vector<1280x64xf32>
    %get3A_9 = arith.constant 0 : index
    %get3A_10 = arith.constant 0 : index
    %get3A_11 = arith.constant 0 : index
    %get3A_12 = vector.load %arg3[%get3A_9, %get3A_10, %get3A_11] : memref<1x1280x32xf32, #tpu.memory_space<vmem>>, vector<1x1280x32xf32>
    %get3A_13 = vector.shape_cast %get3A_12 : vector<1x1280x32xf32> to vector<1280x32xf32>
    %get3A_14 = arith.constant 0 : index
    %get3A_15 = arith.constant 0 : index
    %get3A_16 = arith.constant 0 : index
    %get3A_17 = vector.load %arg4[%get3A_14, %get3A_15, %get3A_16] : memref<1x1280x32xf32, #tpu.memory_space<vmem>>, vector<1x1280x32xf32>
    %get3A_18 = vector.shape_cast %get3A_17 : vector<1x1280x32xf32> to vector<1280x32xf32>
    %concatenate3A_19 = tpu.concatenate %get3A_13, %get3A_18 in 1 : vector<1280x32xf32>, vector<1280x32xf32> -> vector<1280x64xf32>
    %get3A_20 = arith.constant 0 : index
    %get3A_21 = arith.constant 0 : index
    %get3A_22 = vector.load %arg5[%get3A_20, %get3A_21] : memref<1280x1xf32, #tpu.memory_space<vmem>>, vector<1280x1xf32>
    %get3A_23 = arith.constant 0 : index
    %get3A_24 = arith.constant 0 : index
    %get3A_25 = vector.load %arg6[%get3A_23, %get3A_24] : memref<64x64xf32, #tpu.memory_space<vmem>>, vector<64x64xf32>
    %get3A_26 = arith.constant 0 : index
    %get3A_27 = arith.constant 0 : index
    %get3A_28 = vector.load %arg7[%get3A_26, %get3A_27] : memref<1x64xf32, #tpu.memory_space<vmem>>, vector<1x64xf32>
    %get3A_29 = arith.constant 0 : index
    %get3A_30 = arith.constant 0 : index
    %get3A_31 = vector.load %arg8[%get3A_29, %get3A_30] : memref<64x64xf32, #tpu.memory_space<vmem>>, vector<64x64xf32>
    %get3A_32 = arith.constant 0 : index
    %get3A_33 = arith.constant 0 : index
    %get3A_34 = vector.load %arg9[%get3A_32, %get3A_33] : memref<128x64xf32, #tpu.memory_space<vmem>>, vector<128x64xf32>
    %get3A_35 = arith.constant 0 : index
    %get3A_36 = arith.constant 0 : index
    %get3A_37 = vector.load %arg10[%get3A_35, %get3A_36] : memref<1x64xf32, #tpu.memory_space<vmem>>, vector<1x64xf32>
    %max3A = arith.constant 1.000000e+00 : f32
    %max3A_38 = vector.broadcast %max3A : f32 to vector<1280x1xf32>
    %max3A_39 = arith.maximumf %get3A_22, %max3A_38 : vector<1280x1xf32>
    %div3A = vector.broadcast %max3A_39 : vector<1280x1xf32> to vector<1280x64xf32>
    %div3A_40 = arith.divf %concatenate3A, %div3A : vector<1280x64xf32>
    %convert_element_type3A = arith.truncf %div3A_40 : vector<1280x64xf32> to vector<1280x64xbf16>
    %convert_element_type3A_41 = arith.truncf %get3A_25 : vector<64x64xf32> to vector<64x64xbf16>
    %dot_general3A = arith.constant dense<0.000000e+00> : vector<1280x64xf32>
    %dot_general3A_42 = tpu.matmul %convert_element_type3A, %convert_element_type3A_41, %dot_general3A {dimension_numbers = #tpu.dot_dimension_numbers<[1], [0], [0], [1], [0, 0, 1, 1], [], []>, transpose_lhs_hint = false} : vector<1280x64xbf16>, vector<64x64xbf16>, vector<1280x64xf32> -> vector<1280x64xf32>
    %add3A = vector.broadcast %get3A_28 : vector<1x64xf32> to vector<1280x64xf32>
    %add3A_43 = arith.addf %dot_general3A_42, %add3A : vector<1280x64xf32>
    %convert_element_type3A_44 = arith.truncf %concatenate3A_19 : vector<1280x64xf32> to vector<1280x64xbf16>
    %convert_element_type3A_45 = arith.truncf %get3A_31 : vector<64x64xf32> to vector<64x64xbf16>
    %dot_general3A_46 = arith.constant dense<0.000000e+00> : vector<1280x64xf32>
    %dot_general3A_47 = tpu.matmul %convert_element_type3A_44, %convert_element_type3A_45, %dot_general3A_46 {dimension_numbers = #tpu.dot_dimension_numbers<[1], [0], [0], [1], [0, 0, 1, 1], [], []>, transpose_lhs_hint = false} : vector<1280x64xbf16>, vector<64x64xbf16>, vector<1280x64xf32> -> vector<1280x64xf32>
    %add3A_48 = arith.addf %add3A_43, %dot_general3A_47 : vector<1280x64xf32>
    %mul3A = arith.mulf %add3A_48, %add3A_48 : vector<1280x64xf32>
    %reduce_sum3A = arith.constant dense<0.000000e+00> : vector<1280xf32>
    %reduce_sum3A_49 = vector.multi_reduction <add>, %mul3A, %reduce_sum3A [1] : vector<1280x64xf32> to vector<1280xf32>
    %broadcast_in_dim3A = vector.shape_cast %reduce_sum3A_49 : vector<1280xf32> to vector<1280x1xf32>
    %sqrt3A = math.sqrt %broadcast_in_dim3A : vector<1280x1xf32>
    %max3A_50 = arith.constant 9.99999996E-13 : f32
    %max3A_51 = vector.broadcast %max3A_50 : f32 to vector<1280x1xf32>
    %max3A_52 = arith.maximumf %sqrt3A, %max3A_51 : vector<1280x1xf32>
    %div3A_53 = vector.broadcast %max3A_52 : vector<1280x1xf32> to vector<1280x64xf32>
    %div3A_54 = arith.divf %add3A_48, %div3A_53 : vector<1280x64xf32>
    %concatenate3A_55 = tpu.concatenate %div3A_54, %concatenate3A_19 in 1 : vector<1280x64xf32>, vector<1280x64xf32> -> vector<1280x128xf32>
    %convert_element_type3A_56 = arith.truncf %concatenate3A_55 : vector<1280x128xf32> to vector<1280x128xbf16>
    %convert_element_type3A_57 = arith.truncf %get3A_34 : vector<128x64xf32> to vector<128x64xbf16>
    %dot_general3A_58 = arith.constant dense<0.000000e+00> : vector<1280x64xf32>
    %dot_general3A_59 = tpu.matmul %convert_element_type3A_56, %convert_element_type3A_57, %dot_general3A_58 {dimension_numbers = #tpu.dot_dimension_numbers<[1], [0], [0], [1], [0, 0, 1, 1], [], []>, transpose_lhs_hint = false} : vector<1280x128xbf16>, vector<128x64xbf16>, vector<1280x64xf32> -> vector<1280x64xf32>
    %add3A_60 = vector.broadcast %get3A_37 : vector<1x64xf32> to vector<1280x64xf32>
    %add3A_61 = arith.addf %dot_general3A_59, %add3A_60 : vector<1280x64xf32>
    %gt3A = arith.constant 0.000000e+00 : f32
    %gt3A_62 = vector.broadcast %gt3A : f32 to vector<1280x64xf32>
    %gt3A_63 = arith.cmpf ogt, %add3A_61, %gt3A_62 : vector<1280x64xf32>
    %mul3A_64 = arith.constant 0.00999999977 : f32
    %mul3A_65 = vector.broadcast %mul3A_64 : f32 to vector<1280x64xf32>
    %mul3A_66 = arith.mulf %mul3A_65, %add3A_61 : vector<1280x64xf32>
    %select_n3A = arith.select %gt3A_63, %add3A_61, %mul3A_66 : vector<1280x64xi1>, vector<1280x64xf32>
    %mul3A_67 = arith.constant 1280 : i32
    %mul3A_68 = arith.muli %arg0, %mul3A_67 : i32
    %iota3A = tpu.iota {dimensions = array<i32: 0>} : vector<1280x1xi32>
    %add3A_69 = vector.broadcast %mul3A_68 : i32 to vector<1280x1xi32>
    %add3A_70 = arith.addi %add3A_69, %iota3A : vector<1280x1xi32>
    %lt3A = arith.constant 10000 : i32
    %lt3A_71 = vector.broadcast %lt3A : i32 to vector<1280x1xi32>
    %lt3A_72 = arith.cmpi slt, %add3A_70, %lt3A_71 : vector<1280x1xi32>
    %jit3A = arith.constant 0.000000e+00 : f32
    %broadcast_in_dim3A_73 = vector.shape_cast %lt3A_72 : vector<1280x1xi1> to vector<1280x1xi1>
    %broadcast_in_dim3A_74 = vector.broadcast %broadcast_in_dim3A_73 : vector<1280x1xi1> to vector<1280x64xi1>
    %broadcast_in_dim3A_75 = vector.broadcast %jit3A : f32 to vector<1280x64xf32>
    %select_n3A_76 = arith.select %broadcast_in_dim3A_74, %select_n3A, %broadcast_in_dim3A_75 : vector<1280x64xi1>, vector<1280x64xf32>
    %slice3A = vector.extract_strided_slice %select_n3A_76 {offsets = [0, 0], sizes = [1280, 32], strides = [1, 1]} : vector<1280x64xf32> to vector<1280x32xf32>
    %swap3A = arith.constant 0 : index
    %swap3A_77 = arith.constant 0 : index
    %swap3A_78 = arith.constant 0 : index
    %swap3A_79 = vector.load %arg11[%swap3A, %swap3A_77, %swap3A_78] : memref<2x1280x32xf32, #tpu.memory_space<vmem>>, vector<1x1280x32xf32>
    %swap3A_80 = vector.shape_cast %swap3A_79 : vector<1x1280x32xf32> to vector<1280x32xf32>
    %swap3A_81 = vector.shape_cast %slice3A : vector<1280x32xf32> to vector<1x1280x32xf32>
    tpu.vector_store %arg11[%swap3A, %swap3A_77, %swap3A_78], %swap3A_81 {strides = array<i32>} : memref<2x1280x32xf32, #tpu.memory_space<vmem>>, vector<1x1280x32xf32>,
    %slice3A_82 = vector.extract_strided_slice %select_n3A_76 {offsets = [0, 32], sizes = [1280, 32], strides = [1, 1]} : vector<1280x64xf32> to vector<1280x32xf32>
    %swap3A_83 = arith.constant 1 : index
    %swap3A_84 = arith.constant 0 : index
    %swap3A_85 = arith.constant 0 : index
    %swap3A_86 = vector.load %arg11[%swap3A_83, %swap3A_84, %swap3A_85] : memref<2x1280x32xf32, #tpu.memory_space<vmem>>, vector<1x1280x32xf32>
    %swap3A_87 = vector.shape_cast %swap3A_86 : vector<1x1280x32xf32> to vector<1280x32xf32>
    %swap3A_88 = vector.shape_cast %slice3A_82 : vector<1280x32xf32> to vector<1x1280x32xf32>
    tpu.vector_store %arg11[%swap3A_83, %swap3A_84, %swap3A_85], %swap3A_88 {strides = array<i32>} : memref<2x1280x32xf32, #tpu.memory_space<vmem>>, vector<1x1280x32xf32>,
    return
  }
  func.func @transform_0(%arg0: i32) -> (i32, i32, i32) {
    %c0_i32 = arith.constant 0 : i32
    %c0_i32_0 = arith.constant 0 : i32
    %c0_i32_1 = arith.constant 0 : i32
    return %c0_i32, %arg0, %c0_i32_0 : i32, i32, i32
  }
  func.func @transform_1(%arg0: i32) -> (i32, i32, i32) {
    %c1_i32 = arith.constant 1 : i32
    %c0_i32 = arith.constant 0 : i32
    %c0_i32_0 = arith.constant 0 : i32
    return %c1_i32, %arg0, %c0_i32 : i32, i32, i32
  }
  func.func @transform_2(%arg0: i32) -> (i32, i32, i32) {
    %c0_i32 = arith.constant 0 : i32
    %c0_i32_0 = arith.constant 0 : i32
    %c0_i32_1 = arith.constant 0 : i32
    return %c0_i32, %arg0, %c0_i32_0 : i32, i32, i32
  }
  func.func @transform_3(%arg0: i32) -> (i32, i32, i32) {
    %c1_i32 = arith.constant 1 : i32
    %c0_i32 = arith.constant 0 : i32
    %c0_i32_0 = arith.constant 0 : i32
    return %c1_i32, %arg0, %c0_i32 : i32, i32, i32
  }
  func.func @transform_4(%arg0: i32) -> (i32, i32) {
    %c0_i32 = arith.constant 0 : i32
    %c0_i32_0 = arith.constant 0 : i32
    return %arg0, %c0_i32 : i32, i32
  }
  func.func @transform_5(%arg0: i32) -> (i32, i32) {
    %c0_i32 = arith.constant 0 : i32
    %c0_i32_0 = arith.constant 0 : i32
    %c0_i32_1 = arith.constant 0 : i32
    return %c0_i32, %c0_i32_0 : i32, i32
  }
  func.func @transform_6(%arg0: i32) -> (i32, i32) {
    %c0_i32 = arith.constant 0 : i32
    %c0_i32_0 = arith.constant 0 : i32
    %c0_i32_1 = arith.constant 0 : i32
    return %c0_i32, %c0_i32_0 : i32, i32
  }
  func.func @transform_7(%arg0: i32) -> (i32, i32) {
    %c0_i32 = arith.constant 0 : i32
    %c0_i32_0 = arith.constant 0 : i32
    %c0_i32_1 = arith.constant 0 : i32
    return %c0_i32, %c0_i32_0 : i32, i32
  }
  func.func @transform_8(%arg0: i32) -> (i32, i32) {
    %c0_i32 = arith.constant 0 : i32
    %c0_i32_0 = arith.constant 0 : i32
    %c0_i32_1 = arith.constant 0 : i32
    return %c0_i32, %c0_i32_0 : i32, i32
  }
  func.func @transform_9(%arg0: i32) -> (i32, i32) {
    %c0_i32 = arith.constant 0 : i32
    %c0_i32_0 = arith.constant 0 : i32
    %c0_i32_1 = arith.constant 0 : i32
    return %c0_i32, %c0_i32_0 : i32, i32
  }
  func.func @transform_10(%arg0: i32) -> (i32, i32, i32) {
    %c0_i32 = arith.constant 0 : i32
    %c0_i32_0 = arith.constant 0 : i32
    %c0_i32_1 = arith.constant 0 : i32
    return %c0_i32, %arg0, %c0_i32_0 : i32, i32, i32
  }
}

module attributes {stable_mosaic.version = 14 : i64} {
  func.func @_layer_last_body(%arg0: i32, %arg1: memref<1x1280x32xf32, #tpu.memory_space<vmem>>, %arg2: memref<1x1280x32xf32, #tpu.memory_space<vmem>>, %arg3: memref<1x1280x32xf32, #tpu.memory_space<vmem>>, %arg4: memref<1x1280x32xf32, #tpu.memory_space<vmem>>, %arg5: memref<1280x1xf32, #tpu.memory_space<vmem>>, %arg6: memref<64x64xf32, #tpu.memory_space<vmem>>, %arg7: memref<1x64xf32, #tpu.memory_space<vmem>>, %arg8: memref<64x64xf32, #tpu.memory_space<vmem>>, %arg9: memref<128x64xf32, #tpu.memory_space<vmem>>, %arg10: memref<1x64xf32, #tpu.memory_space<vmem>>, %arg11: memref<1280x64xf32, #tpu.memory_space<vmem>>) attributes {dimension_semantics = [#tpu.dimension_semantics<arbitrary>], iteration_bounds = array<i64: 8>, scalar_prefetch = 0 : i64, scratch_operands = 0 : i64, tpu.core_type = #tpu.core_type<tc>, window_params = [{transform_indices = @transform_0, window_bounds = array<i64: 1, 1280, 32>}, {transform_indices = @transform_1, window_bounds = array<i64: 1, 1280, 32>}, {transform_indices = @transform_2, window_bounds = array<i64: 1, 1280, 32>}, {transform_indices = @transform_3, window_bounds = array<i64: 1, 1280, 32>}, {transform_indices = @transform_4, window_bounds = array<i64: 1280, 1>}, {pipeline_mode = #tpu.pipeline_mode<synchronous>, transform_indices = @transform_5, window_bounds = array<i64: 64, 64>}, {pipeline_mode = #tpu.pipeline_mode<synchronous>, transform_indices = @transform_6, window_bounds = array<i64: 1, 64>}, {pipeline_mode = #tpu.pipeline_mode<synchronous>, transform_indices = @transform_7, window_bounds = array<i64: 64, 64>}, {pipeline_mode = #tpu.pipeline_mode<synchronous>, transform_indices = @transform_8, window_bounds = array<i64: 128, 64>}, {pipeline_mode = #tpu.pipeline_mode<synchronous>, transform_indices = @transform_9, window_bounds = array<i64: 1, 64>}, {transform_indices = @transform_10, window_bounds = array<i64: 1280, 64>}]} {
    %get3A = arith.constant 0 : index
    %get3A_0 = arith.constant 0 : index
    %get3A_1 = arith.constant 0 : index
    %get3A_2 = vector.load %arg1[%get3A, %get3A_0, %get3A_1] : memref<1x1280x32xf32, #tpu.memory_space<vmem>>, vector<1x1280x32xf32>
    %get3A_3 = vector.shape_cast %get3A_2 : vector<1x1280x32xf32> to vector<1280x32xf32>
    %get3A_4 = arith.constant 0 : index
    %get3A_5 = arith.constant 0 : index
    %get3A_6 = arith.constant 0 : index
    %get3A_7 = vector.load %arg2[%get3A_4, %get3A_5, %get3A_6] : memref<1x1280x32xf32, #tpu.memory_space<vmem>>, vector<1x1280x32xf32>
    %get3A_8 = vector.shape_cast %get3A_7 : vector<1x1280x32xf32> to vector<1280x32xf32>
    %concatenate3A = tpu.concatenate %get3A_3, %get3A_8 in 1 : vector<1280x32xf32>, vector<1280x32xf32> -> vector<1280x64xf32>
    %get3A_9 = arith.constant 0 : index
    %get3A_10 = arith.constant 0 : index
    %get3A_11 = arith.constant 0 : index
    %get3A_12 = vector.load %arg3[%get3A_9, %get3A_10, %get3A_11] : memref<1x1280x32xf32, #tpu.memory_space<vmem>>, vector<1x1280x32xf32>
    %get3A_13 = vector.shape_cast %get3A_12 : vector<1x1280x32xf32> to vector<1280x32xf32>
    %get3A_14 = arith.constant 0 : index
    %get3A_15 = arith.constant 0 : index
    %get3A_16 = arith.constant 0 : index
    %get3A_17 = vector.load %arg4[%get3A_14, %get3A_15, %get3A_16] : memref<1x1280x32xf32, #tpu.memory_space<vmem>>, vector<1x1280x32xf32>
    %get3A_18 = vector.shape_cast %get3A_17 : vector<1x1280x32xf32> to vector<1280x32xf32>
    %concatenate3A_19 = tpu.concatenate %get3A_13, %get3A_18 in 1 : vector<1280x32xf32>, vector<1280x32xf32> -> vector<1280x64xf32>
    %get3A_20 = arith.constant 0 : index
    %get3A_21 = arith.constant 0 : index
    %get3A_22 = vector.load %arg5[%get3A_20, %get3A_21] : memref<1280x1xf32, #tpu.memory_space<vmem>>, vector<1280x1xf32>
    %get3A_23 = arith.constant 0 : index
    %get3A_24 = arith.constant 0 : index
    %get3A_25 = vector.load %arg6[%get3A_23, %get3A_24] : memref<64x64xf32, #tpu.memory_space<vmem>>, vector<64x64xf32>
    %get3A_26 = arith.constant 0 : index
    %get3A_27 = arith.constant 0 : index
    %get3A_28 = vector.load %arg7[%get3A_26, %get3A_27] : memref<1x64xf32, #tpu.memory_space<vmem>>, vector<1x64xf32>
    %get3A_29 = arith.constant 0 : index
    %get3A_30 = arith.constant 0 : index
    %get3A_31 = vector.load %arg8[%get3A_29, %get3A_30] : memref<64x64xf32, #tpu.memory_space<vmem>>, vector<64x64xf32>
    %get3A_32 = arith.constant 0 : index
    %get3A_33 = arith.constant 0 : index
    %get3A_34 = vector.load %arg9[%get3A_32, %get3A_33] : memref<128x64xf32, #tpu.memory_space<vmem>>, vector<128x64xf32>
    %get3A_35 = arith.constant 0 : index
    %get3A_36 = arith.constant 0 : index
    %get3A_37 = vector.load %arg10[%get3A_35, %get3A_36] : memref<1x64xf32, #tpu.memory_space<vmem>>, vector<1x64xf32>
    %max3A = arith.constant 1.000000e+00 : f32
    %max3A_38 = vector.broadcast %max3A : f32 to vector<1280x1xf32>
    %max3A_39 = arith.maximumf %get3A_22, %max3A_38 : vector<1280x1xf32>
    %div3A = vector.broadcast %max3A_39 : vector<1280x1xf32> to vector<1280x64xf32>
    %div3A_40 = arith.divf %concatenate3A, %div3A : vector<1280x64xf32>
    %convert_element_type3A = arith.truncf %div3A_40 : vector<1280x64xf32> to vector<1280x64xbf16>
    %convert_element_type3A_41 = arith.truncf %get3A_25 : vector<64x64xf32> to vector<64x64xbf16>
    %dot_general3A = arith.constant dense<0.000000e+00> : vector<1280x64xf32>
    %dot_general3A_42 = tpu.matmul %convert_element_type3A, %convert_element_type3A_41, %dot_general3A {dimension_numbers = #tpu.dot_dimension_numbers<[1], [0], [0], [1], [0, 0, 1, 1], [], []>, transpose_lhs_hint = false} : vector<1280x64xbf16>, vector<64x64xbf16>, vector<1280x64xf32> -> vector<1280x64xf32>
    %add3A = vector.broadcast %get3A_28 : vector<1x64xf32> to vector<1280x64xf32>
    %add3A_43 = arith.addf %dot_general3A_42, %add3A : vector<1280x64xf32>
    %convert_element_type3A_44 = arith.truncf %concatenate3A_19 : vector<1280x64xf32> to vector<1280x64xbf16>
    %convert_element_type3A_45 = arith.truncf %get3A_31 : vector<64x64xf32> to vector<64x64xbf16>
    %dot_general3A_46 = arith.constant dense<0.000000e+00> : vector<1280x64xf32>
    %dot_general3A_47 = tpu.matmul %convert_element_type3A_44, %convert_element_type3A_45, %dot_general3A_46 {dimension_numbers = #tpu.dot_dimension_numbers<[1], [0], [0], [1], [0, 0, 1, 1], [], []>, transpose_lhs_hint = false} : vector<1280x64xbf16>, vector<64x64xbf16>, vector<1280x64xf32> -> vector<1280x64xf32>
    %add3A_48 = arith.addf %add3A_43, %dot_general3A_47 : vector<1280x64xf32>
    %mul3A = arith.mulf %add3A_48, %add3A_48 : vector<1280x64xf32>
    %reduce_sum3A = arith.constant dense<0.000000e+00> : vector<1280xf32>
    %reduce_sum3A_49 = vector.multi_reduction <add>, %mul3A, %reduce_sum3A [1] : vector<1280x64xf32> to vector<1280xf32>
    %broadcast_in_dim3A = vector.shape_cast %reduce_sum3A_49 : vector<1280xf32> to vector<1280x1xf32>
    %sqrt3A = math.sqrt %broadcast_in_dim3A : vector<1280x1xf32>
    %max3A_50 = arith.constant 9.99999996E-13 : f32
    %max3A_51 = vector.broadcast %max3A_50 : f32 to vector<1280x1xf32>
    %max3A_52 = arith.maximumf %sqrt3A, %max3A_51 : vector<1280x1xf32>
    %div3A_53 = vector.broadcast %max3A_52 : vector<1280x1xf32> to vector<1280x64xf32>
    %div3A_54 = arith.divf %add3A_48, %div3A_53 : vector<1280x64xf32>
    %concatenate3A_55 = tpu.concatenate %div3A_54, %concatenate3A_19 in 1 : vector<1280x64xf32>, vector<1280x64xf32> -> vector<1280x128xf32>
    %convert_element_type3A_56 = arith.truncf %concatenate3A_55 : vector<1280x128xf32> to vector<1280x128xbf16>
    %convert_element_type3A_57 = arith.truncf %get3A_34 : vector<128x64xf32> to vector<128x64xbf16>
    %dot_general3A_58 = arith.constant dense<0.000000e+00> : vector<1280x64xf32>
    %dot_general3A_59 = tpu.matmul %convert_element_type3A_56, %convert_element_type3A_57, %dot_general3A_58 {dimension_numbers = #tpu.dot_dimension_numbers<[1], [0], [0], [1], [0, 0, 1, 1], [], []>, transpose_lhs_hint = false} : vector<1280x128xbf16>, vector<128x64xbf16>, vector<1280x64xf32> -> vector<1280x64xf32>
    %add3A_60 = vector.broadcast %get3A_37 : vector<1x64xf32> to vector<1280x64xf32>
    %add3A_61 = arith.addf %dot_general3A_59, %add3A_60 : vector<1280x64xf32>
    %gt3A = arith.constant 0.000000e+00 : f32
    %gt3A_62 = vector.broadcast %gt3A : f32 to vector<1280x64xf32>
    %gt3A_63 = arith.cmpf ogt, %add3A_61, %gt3A_62 : vector<1280x64xf32>
    %mul3A_64 = arith.constant 0.00999999977 : f32
    %mul3A_65 = vector.broadcast %mul3A_64 : f32 to vector<1280x64xf32>
    %mul3A_66 = arith.mulf %mul3A_65, %add3A_61 : vector<1280x64xf32>
    %select_n3A = arith.select %gt3A_63, %add3A_61, %mul3A_66 : vector<1280x64xi1>, vector<1280x64xf32>
    %mul3A_67 = arith.constant 1280 : i32
    %mul3A_68 = arith.muli %arg0, %mul3A_67 : i32
    %iota3A = tpu.iota {dimensions = array<i32: 0>} : vector<1280x1xi32>
    %add3A_69 = vector.broadcast %mul3A_68 : i32 to vector<1280x1xi32>
    %add3A_70 = arith.addi %add3A_69, %iota3A : vector<1280x1xi32>
    %lt3A = arith.constant 10000 : i32
    %lt3A_71 = vector.broadcast %lt3A : i32 to vector<1280x1xi32>
    %lt3A_72 = arith.cmpi slt, %add3A_70, %lt3A_71 : vector<1280x1xi32>
    %jit3A = arith.constant 0.000000e+00 : f32
    %broadcast_in_dim3A_73 = vector.shape_cast %lt3A_72 : vector<1280x1xi1> to vector<1280x1xi1>
    %broadcast_in_dim3A_74 = vector.broadcast %broadcast_in_dim3A_73 : vector<1280x1xi1> to vector<1280x64xi1>
    %broadcast_in_dim3A_75 = vector.broadcast %jit3A : f32 to vector<1280x64xf32>
    %select_n3A_76 = arith.select %broadcast_in_dim3A_74, %select_n3A, %broadcast_in_dim3A_75 : vector<1280x64xi1>, vector<1280x64xf32>
    %swap3A = arith.constant 0 : index
    %swap3A_77 = arith.constant 0 : index
    %swap3A_78 = vector.load %arg11[%swap3A, %swap3A_77] : memref<1280x64xf32, #tpu.memory_space<vmem>>, vector<1280x64xf32>
    tpu.vector_store %arg11[%swap3A, %swap3A_77], %select_n3A_76 {strides = array<i32>} : memref<1280x64xf32, #tpu.memory_space<vmem>>, vector<1280x64xf32>,
    return
  }
  func.func @transform_0(%arg0: i32) -> (i32, i32, i32) {
    %c0_i32 = arith.constant 0 : i32
    %c0_i32_0 = arith.constant 0 : i32
    %c0_i32_1 = arith.constant 0 : i32
    return %c0_i32, %arg0, %c0_i32_0 : i32, i32, i32
  }
  func.func @transform_1(%arg0: i32) -> (i32, i32, i32) {
    %c1_i32 = arith.constant 1 : i32
    %c0_i32 = arith.constant 0 : i32
    %c0_i32_0 = arith.constant 0 : i32
    return %c1_i32, %arg0, %c0_i32 : i32, i32, i32
  }
  func.func @transform_2(%arg0: i32) -> (i32, i32, i32) {
    %c0_i32 = arith.constant 0 : i32
    %c0_i32_0 = arith.constant 0 : i32
    %c0_i32_1 = arith.constant 0 : i32
    return %c0_i32, %arg0, %c0_i32_0 : i32, i32, i32
  }
  func.func @transform_3(%arg0: i32) -> (i32, i32, i32) {
    %c1_i32 = arith.constant 1 : i32
    %c0_i32 = arith.constant 0 : i32
    %c0_i32_0 = arith.constant 0 : i32
    return %c1_i32, %arg0, %c0_i32 : i32, i32, i32
  }
  func.func @transform_4(%arg0: i32) -> (i32, i32) {
    %c0_i32 = arith.constant 0 : i32
    %c0_i32_0 = arith.constant 0 : i32
    return %arg0, %c0_i32 : i32, i32
  }
  func.func @transform_5(%arg0: i32) -> (i32, i32) {
    %c0_i32 = arith.constant 0 : i32
    %c0_i32_0 = arith.constant 0 : i32
    %c0_i32_1 = arith.constant 0 : i32
    return %c0_i32, %c0_i32_0 : i32, i32
  }
  func.func @transform_6(%arg0: i32) -> (i32, i32) {
    %c0_i32 = arith.constant 0 : i32
    %c0_i32_0 = arith.constant 0 : i32
    %c0_i32_1 = arith.constant 0 : i32
    return %c0_i32, %c0_i32_0 : i32, i32
  }
  func.func @transform_7(%arg0: i32) -> (i32, i32) {
    %c0_i32 = arith.constant 0 : i32
    %c0_i32_0 = arith.constant 0 : i32
    %c0_i32_1 = arith.constant 0 : i32
    return %c0_i32, %c0_i32_0 : i32, i32
  }
  func.func @transform_8(%arg0: i32) -> (i32, i32) {
    %c0_i32 = arith.constant 0 : i32
    %c0_i32_0 = arith.constant 0 : i32
    %c0_i32_1 = arith.constant 0 : i32
    return %c0_i32, %c0_i32_0 : i32, i32
  }
  func.func @transform_9(%arg0: i32) -> (i32, i32) {
    %c0_i32 = arith.constant 0 : i32
    %c0_i32_0 = arith.constant 0 : i32
    %c0_i32_1 = arith.constant 0 : i32
    return %c0_i32, %c0_i32_0 : i32, i32
  }
  func.func @transform_10(%arg0: i32) -> (i32, i32) {
    %c0_i32 = arith.constant 0 : i32
    %c0_i32_0 = arith.constant 0 : i32
    return %arg0, %c0_i32 : i32, i32
  }
}

module attributes {stable_mosaic.version = 14 : i64} {
  func.func @_pool_body(%arg0: i32, %arg1: memref<10240x64xf32, #tpu.memory_space<vmem>>, %arg2: memref<1x10240xi32, #tpu.memory_space<vmem>>, %arg3: memref<16x24xf32, #tpu.memory_space<vmem>>, %arg4: memref<88x64xf32, #tpu.memory_space<vmem>>, %arg5: memref<1x64xf32, #tpu.memory_space<vmem>>, %arg6: memref<64x1xf32, #tpu.memory_space<vmem>>, %arg7: memref<1x1xf32, #tpu.memory_space<vmem>>, %arg8: memref<16x1xf32, #tpu.memory_space<vmem>>) attributes {dimension_semantics = [#tpu.dimension_semantics<arbitrary>], iteration_bounds = array<i64: 1>, scalar_prefetch = 0 : i64, scratch_operands = 0 : i64, tpu.core_type = #tpu.core_type<tc>, window_params = [{pipeline_mode = #tpu.pipeline_mode<synchronous>, transform_indices = @transform_0, window_bounds = array<i64: 10240, 64>}, {pipeline_mode = #tpu.pipeline_mode<synchronous>, transform_indices = @transform_1, window_bounds = array<i64: 1, 10240>}, {pipeline_mode = #tpu.pipeline_mode<synchronous>, transform_indices = @transform_2, window_bounds = array<i64: 16, 24>}, {pipeline_mode = #tpu.pipeline_mode<synchronous>, transform_indices = @transform_3, window_bounds = array<i64: 88, 64>}, {pipeline_mode = #tpu.pipeline_mode<synchronous>, transform_indices = @transform_4, window_bounds = array<i64: 1, 64>}, {pipeline_mode = #tpu.pipeline_mode<synchronous>, transform_indices = @transform_5, window_bounds = array<i64: 64, 1>}, {pipeline_mode = #tpu.pipeline_mode<synchronous>, transform_indices = @transform_6, window_bounds = array<i64: 1, 1>}, {pipeline_mode = #tpu.pipeline_mode<synchronous>, transform_indices = @transform_7, window_bounds = array<i64: 16, 1>}]} {
    %get3A = arith.constant 0 : index
    %get3A_0 = arith.constant 0 : index
    %get3A_1 = vector.load %arg1[%get3A, %get3A_0] : memref<10240x64xf32, #tpu.memory_space<vmem>>, vector<10240x64xf32>
    %get3A_2 = arith.constant 0 : index
    %get3A_3 = arith.constant 0 : index
    %get3A_4 = vector.load %arg2[%get3A_2, %get3A_3] : memref<1x10240xi32, #tpu.memory_space<vmem>>, vector<1x10240xi32>
    %iota3A = tpu.iota {dimensions = array<i32: 0>} : vector<16x1xi32>
    %eq3A = vector.broadcast %iota3A : vector<16x1xi32> to vector<16x10240xi32>
    %eq3A_5 = vector.broadcast %get3A_4 : vector<1x10240xi32> to vector<16x10240xi32>
    %eq3A_6 = arith.cmpi eq, %eq3A, %eq3A_5 : vector<16x10240xi32>
    %convert_element_type3A = arith.extui %eq3A_6 : vector<16x10240xi1> to vector<16x10240xi32>
    %convert_element_type3A_7 = arith.sitofp %convert_element_type3A : vector<16x10240xi32> to vector<16x10240xf32>
    %dot_general3A = arith.constant dense<0.000000e+00> : vector<16x64xf32>
    %dot_general3A_8 = tpu.matmul %convert_element_type3A_7, %get3A_1, %dot_general3A {dimension_numbers = #tpu.dot_dimension_numbers<[1], [0], [0], [1], [0, 0, 1, 1], [], []>, precision = #tpu.contract_precision<fp32>, transpose_lhs_hint = false} : vector<16x10240xf32>, vector<10240x64xf32>, vector<16x64xf32> -> vector<16x64xf32>
    %get3A_9 = arith.constant 0 : index
    %get3A_10 = arith.constant 0 : index
    %get3A_11 = vector.load %arg3[%get3A_9, %get3A_10] : memref<16x24xf32, #tpu.memory_space<vmem>>, vector<16x24xf32>
    %concatenate3A = tpu.concatenate %dot_general3A_8, %get3A_11 in 1 : vector<16x64xf32>, vector<16x24xf32> -> vector<16x88xf32>
    %get3A_12 = arith.constant 0 : index
    %get3A_13 = arith.constant 0 : index
    %get3A_14 = vector.load %arg4[%get3A_12, %get3A_13] : memref<88x64xf32, #tpu.memory_space<vmem>>, vector<88x64xf32>
    %convert_element_type3A_15 = arith.truncf %concatenate3A : vector<16x88xf32> to vector<16x88xbf16>
    %convert_element_type3A_16 = arith.truncf %get3A_14 : vector<88x64xf32> to vector<88x64xbf16>
    %dot_general3A_17 = arith.constant dense<0.000000e+00> : vector<16x64xf32>
    %dot_general3A_18 = tpu.matmul %convert_element_type3A_15, %convert_element_type3A_16, %dot_general3A_17 {dimension_numbers = #tpu.dot_dimension_numbers<[1], [0], [0], [1], [0, 0, 1, 1], [], []>, transpose_lhs_hint = false} : vector<16x88xbf16>, vector<88x64xbf16>, vector<16x64xf32> -> vector<16x64xf32>
    %get3A_19 = arith.constant 0 : index
    %get3A_20 = arith.constant 0 : index
    %get3A_21 = vector.load %arg5[%get3A_19, %get3A_20] : memref<1x64xf32, #tpu.memory_space<vmem>>, vector<1x64xf32>
    %add3A = vector.broadcast %get3A_21 : vector<1x64xf32> to vector<16x64xf32>
    %add3A_22 = arith.addf %dot_general3A_18, %add3A : vector<16x64xf32>
    %gt3A = arith.constant 0.000000e+00 : f32
    %gt3A_23 = vector.broadcast %gt3A : f32 to vector<16x64xf32>
    %gt3A_24 = arith.cmpf ogt, %add3A_22, %gt3A_23 : vector<16x64xf32>
    %mul3A = arith.constant 0.00999999977 : f32
    %mul3A_25 = vector.broadcast %mul3A : f32 to vector<16x64xf32>
    %mul3A_26 = arith.mulf %mul3A_25, %add3A_22 : vector<16x64xf32>
    %select_n3A = arith.select %gt3A_24, %add3A_22, %mul3A_26 : vector<16x64xi1>, vector<16x64xf32>
    %get3A_27 = arith.constant 0 : index
    %get3A_28 = arith.constant 0 : index
    %get3A_29 = vector.load %arg6[%get3A_27, %get3A_28] : memref<64x1xf32, #tpu.memory_space<vmem>>, vector<64x1xf32>
    %convert_element_type3A_30 = arith.truncf %select_n3A : vector<16x64xf32> to vector<16x64xbf16>
    %convert_element_type3A_31 = arith.truncf %get3A_29 : vector<64x1xf32> to vector<64x1xbf16>
    %dot_general3A_32 = arith.constant dense<0.000000e+00> : vector<16x1xf32>
    %dot_general3A_33 = tpu.matmul %convert_element_type3A_30, %convert_element_type3A_31, %dot_general3A_32 {dimension_numbers = #tpu.dot_dimension_numbers<[1], [0], [0], [1], [0, 0, 1, 1], [], []>, transpose_lhs_hint = false} : vector<16x64xbf16>, vector<64x1xbf16>, vector<16x1xf32> -> vector<16x1xf32>
    %get3A_34 = arith.constant 0 : index
    %get3A_35 = arith.constant 0 : index
    %get3A_36 = vector.load %arg7[%get3A_34, %get3A_35] : memref<1x1xf32, #tpu.memory_space<vmem>>, vector<1x1xf32>
    %add3A_37 = vector.broadcast %get3A_36 : vector<1x1xf32> to vector<16x1xf32>
    %add3A_38 = arith.addf %dot_general3A_33, %add3A_37 : vector<16x1xf32>
    %swap3A = arith.constant 0 : index
    %swap3A_39 = arith.constant 0 : index
    %swap3A_40 = vector.load %arg8[%swap3A, %swap3A_39] : memref<16x1xf32, #tpu.memory_space<vmem>>, vector<16x1xf32>
    tpu.vector_store %arg8[%swap3A, %swap3A_39], %add3A_38 {strides = array<i32>} : memref<16x1xf32, #tpu.memory_space<vmem>>, vector<16x1xf32>,
    return
  }
  func.func @transform_0(%arg0: i32) -> (i32, i32) {
    %c0_i32 = arith.constant 0 : i32
    %c0_i32_0 = arith.constant 0 : i32
    %c0_i32_1 = arith.constant 0 : i32
    return %c0_i32, %c0_i32_0 : i32, i32
  }
  func.func @transform_1(%arg0: i32) -> (i32, i32) {
    %c0_i32 = arith.constant 0 : i32
    %c0_i32_0 = arith.constant 0 : i32
    %c0_i32_1 = arith.constant 0 : i32
    return %c0_i32, %c0_i32_0 : i32, i32
  }
  func.func @transform_2(%arg0: i32) -> (i32, i32) {
    %c0_i32 = arith.constant 0 : i32
    %c0_i32_0 = arith.constant 0 : i32
    %c0_i32_1 = arith.constant 0 : i32
    return %c0_i32, %c0_i32_0 : i32, i32
  }
  func.func @transform_3(%arg0: i32) -> (i32, i32) {
    %c0_i32 = arith.constant 0 : i32
    %c0_i32_0 = arith.constant 0 : i32
    %c0_i32_1 = arith.constant 0 : i32
    return %c0_i32, %c0_i32_0 : i32, i32
  }
  func.func @transform_4(%arg0: i32) -> (i32, i32) {
    %c0_i32 = arith.constant 0 : i32
    %c0_i32_0 = arith.constant 0 : i32
    %c0_i32_1 = arith.constant 0 : i32
    return %c0_i32, %c0_i32_0 : i32, i32
  }
  func.func @transform_5(%arg0: i32) -> (i32, i32) {
    %c0_i32 = arith.constant 0 : i32
    %c0_i32_0 = arith.constant 0 : i32
    %c0_i32_1 = arith.constant 0 : i32
    return %c0_i32, %c0_i32_0 : i32, i32
  }
  func.func @transform_6(%arg0: i32) -> (i32, i32) {
    %c0_i32 = arith.constant 0 : i32
    %c0_i32_0 = arith.constant 0 : i32
    %c0_i32_1 = arith.constant 0 : i32
    return %c0_i32, %c0_i32_0 : i32, i32
  }
  func.func @transform_7(%arg0: i32) -> (i32, i32) {
    %c0_i32 = arith.constant 0 : i32
    %c0_i32_0 = arith.constant 0 : i32
    %c0_i32_1 = arith.constant 0 : i32
    return %c0_i32, %c0_i32_0 : i32, i32
  }
}

</mosaic_0001>

<sc_bundles>
// kernel: kernel.10.cloned.1.call-start
scs
__scs_entry_jumppad:
0x0: {  	(pc) =	sbr.rel $0x88, $3  }
0x1: {  	(tag) =	ssettag $0x0;
	lr =	simm.s32 $0x1  }
0x2: {  	[smem:$0x3F88] =	sst lr;
	_ =	strace $0xD0000000  }
0x3: {  	_ = 	snop  }
0x4: {  	_ = 	snop  }
0x5: {  	_ = 	snop  }
0x6: {  	_ = 	snop  }
0x7: {  	_ = 	snop  }
__scs_overlays_trampoline_lowered:
0x8: {  	[smem:$0x3F97] =	sst s0  }
0x9: {  	[smem:$0x3F98] =	sst s1  }
0xa: {  	[smem:$0x3F99] =	sst s2  }
0xb: {  	[smem:$0x3F9A] =	sst s3  }
0xc: {  	[smem:$0x3F9B] =	sst s4  }
0xd: {  	[smem:$0x3F9C] =	sst s5  }
0xe: {  	[smem:$0x3F9D] =	sst s6  }
0xf: {  	[smem:$0x3F9E] =	sst s7  }
0x10: {  	[smem:$0x3F9F] =	sst s8  }
0x11: {  	[smem:$0x3FA0] =	sst s9;
	s0 =	simm.s32 @!p0 $0x0  }
0x12: {  	s1 =	sld [smem:$0x3F86];
	s0 =	simm.s32 @p0 $0x1  }
0x13: {  	[smem:$0x3FA1] =	sst s0;
	s0 =	simm.s32 @!p1 $0x0  }
0x14: {  	s2 =	sld [smem:$0x3F85];
	s0 =	simm.s32 @p1 $0x1  }
0x15: {  	[smem:$0x3FA2] =	sst s0;
	s0 =	simm.s32 @!p2 $0x0  }
0x16: {  	s3 =	sld [smem:$0x3FDB];
	s0 =	simm.s32 @p2 $0x1  }
0x17: {  	s4 =	simm.s32 $0x1BF5;
	[smem:$0x3FA4] =	sst s0  }
0x18: {  	s0 =	sld [smem:$0x3F87];
	_ =	swait.ge [sflag:s4], $0x0  }
0x19: {  	s7 =	sld [smem:$0x3F88]  }
0x1a: {  	s8 =	sadd.s32 $0xFFFFE003, lr  }
0x1b: {  	s9 =	sadd.s32 $0xFFFFFEF7, lr;
	s5 =	simm.s32 $0xFFFFFFFF;
	p2 =	slt.u32 s8, $0xFFFFF086  }
0x1c: {  	p1 =	slt.u32 s9, $0xF7A;
	s5 =	simm.s32 @!p2 $0x0  }
0x1d: {  	s5 =	simm.s32 @p1 $0x1;
	p0 =	seq.s32 s7, s2  }
0x1e: {  	s7 =	smul.u32 @!p0 $0xF7A, s2;
	p2 =	seq.s32 @!p0 s5, $0x0  }
0x1f: {  	s9 =	smul.u32 $0xF7A, s1;
	s8 =	simm.s32 @!p0 $0x1BF5;
	p2 =	por !p2, p0  }
0x20: {  	[sflag:s8] =	ssyncset.s32 @!p0 $0xFFFFF086;
	s6 =	sadd.s32 @!p0 s3, s7;
	s7 =	simm.s32 @!p0 $0x108  }
0x21: {  	s3 =	sadd.s32 s3, s9;
	s6 =	sadd.s32 @!p0 $0x88, s6;
	s7 =	simm.s32 @p2 $0x1082  }
0x22: {  	[simem:s7], [sflag:s8] =	dma.local @!p0 [hbm:s6], $0xF7A  }
0x23: {  	s9 =	sor.u32 $0xD0000000, s2;
	s6 =	simm.s32 $0x108;
	_ =	swait.ge @!p0 [sflag:s8], $0x0  }
0x24: {  	s3 =	sadd.s32 $0x88, s3;
	s6 =	simm.s32 @!p1 $0x1082;
	[sflag:s4] =	ssyncset.s32 $0xFFFFF086  }
0x25: {  	[simem:s6], [sflag:s4] =	dma.local [hbm:s3], $0xF7A  }
0x26: {  	[smem:$0x3F88] =	sst s1;
	(tag) =	ssettag s2;
	_ =	strace s9  }
0x27: {  	s1 =	sld [smem:$0x3F98]  }
0x28: {  	s2 =	sld [smem:$0x3F99]  }
0x29: {  	s4 =	sld [smem:$0x3F9B]  }
0x2a: {  	p0 =	seq.s32 s5, $0x0;
	s5 =	sld [smem:$0x3F9C]  }
0x2b: {  	s6 =	sld [smem:$0x3F9D]  }
0x2c: {  	s7 =	sld [smem:$0x3F9E]  }
0x2d: {  	s3 =	simm.s32 $0x108;
	s8 =	sld [smem:$0x3F9F]  }
0x2e: {  	s3 =	simm.s32 @!p0 $0x1082;
	s9 =	sld [smem:$0x3FA0]  }
0x2f: {  	lr =	sadd.s32 s0, s3;
	s0 =	sld [smem:$0x3F97]  }
0x30: {  	s3 =	sld [smem:$0x3F9A]  }
0x31: {  	[smem:$0x3FA3] =	sst s10  }
0x32: {  	s10 =	sld [smem:$0x3FA1];
	_ =	sdelay $0x3  }
0x33: {  	p0 =	seq.s32 s10, $0x1;
	s10 =	sld [smem:$0x3FA3];
	_ =	sdelay $0x3  }
0x34: {  	[smem:$0x3FA3] =	sst s10  }
0x35: {  	s10 =	sld [smem:$0x3FA2];
	_ =	sdelay $0x3  }
0x36: {  	p1 =	seq.s32 s10, $0x1;
	s10 =	sld [smem:$0x3FA3];
	_ =	sdelay $0x3  }
0x37: {  	[smem:$0x3FA3] =	sst s10  }
0x38: {  	s10 =	sld [smem:$0x3FA4]  }
0x39: {  	_ = 	snop;
	(pc) =	sbr.ind lr, $3  }
0x3a: {  	_ = 	snop  }
0x3b: {  	_ = 	snop  }
0x3c: {  	p2 =	seq.s32 s10, $0x1;
	s10 =	sld [smem:$0x3FA3]  }
0x3d: {  	_ =	shalt  }
0x3e: {  	_ =	shalt  }
0x3f: {  	_ =	shalt  }
0x40: {  	_ =	shalt  }
0x41: {  	_ =	shalt  }
0x42: {  	_ =	shalt  }
0x43: {  	_ =	shalt  }
0x44: {  	_ =	shalt  }
0x45: {  	_ =	shalt  }
0x46: {  	_ =	shalt  }
0x47: {  	_ =	shalt  }
0x48: {  	_ =	shalt  }
0x49: {  	_ =	shalt  }
0x4a: {  	_ =	shalt  }
0x4b: {  	_ =	shalt  }
0x4c: {  	_ =	shalt  }
0x4d: {  	_ =	shalt  }
0x4e: {  	_ =	shalt  }
0x4f: {  	_ =	shalt  }
0x50: {  	_ =	shalt  }
0x51: {  	_ =	shalt  }
0x52: {  	_ =	shalt  }
0x53: {  	_ =	shalt  }
0x54: {  	_ =	shalt  }
0x55: {  	_ =	shalt  }
0x56: {  	_ =	shalt  }
0x57: {  	_ =	shalt  }
0x58: {  	_ =	shalt  }
0x59: {  	_ =	shalt  }
0x5a: {  	_ =	shalt  }
0x5b: {  	_ =	shalt  }
0x5c: {  	_ =	shalt  }
0x5d: {  	_ =	shalt  }
0x5e: {  	_ =	shalt  }
0x5f: {  	_ =	shalt  }
0x60: {  	_ =	shalt  }
0x61: {  	_ =	shalt  }
0x62: {  	_ =	shalt  }
0x63: {  	_ =	shalt  }
0x64: {  	_ =	shalt  }
0x65: {  	_ =	shalt  }
0x66: {  	_ =	shalt  }
0x67: {  	_ =	shalt  }
0x68: {  	_ =	shalt  }
0x69: {  	_ =	shalt  }
0x6a: {  	_ =	shalt  }
0x6b: {  	_ =	shalt  }
0x6c: {  	_ =	shalt  }
0x6d: {  	_ =	shalt  }
0x6e: {  	_ =	shalt  }
0x6f: {  	_ =	shalt  }
0x70: {  	_ =	shalt  }
0x71: {  	_ =	shalt  }
0x72: {  	_ =	shalt  }
0x73: {  	_ =	shalt  }
0x74: {  	_ =	shalt  }
0x75: {  	_ =	shalt  }
0x76: {  	_ =	shalt  }
0x77: {  	_ =	shalt  }
0x78: {  	_ =	shalt  }
0x79: {  	_ =	shalt  }
0x7a: {  	_ =	shalt  }
0x7b: {  	_ =	shalt  }
0x7c: {  	_ =	shalt  }
0x7d: {  	_ =	shalt  }
0x7e: {  	_ =	shalt  }
0x7f: {  	_ =	shalt  }
0x80: {  	_ =	shalt  }
0x81: {  	_ =	shalt  }
0x82: {  	_ =	shalt  }
0x83: {  	_ =	shalt  }
0x84: {  	_ =	shalt  }
0x85: {  	_ =	shalt  }
0x86: {  	_ =	shalt  }
0x87: {  	_ =	shalt  }
.Lfunc_end0:
.L_simem_size_0:
called_computation_lowered:
.L_overlay_start_0:
0x88: {  	s2 =	sld [smem:$0x3FD9]  }
0x89: {  	s3 =	sld [smem:$0x3FFE];
	_ =	sdelay $0x1  }
0x8a: {  	s1 =	srdreg.scid  }
0x8b: {  	s0 =	sand.u32 $0x1, s1  }
0x8c: {  	s16 =	sshll.u32 s0, $0xA;
	s2 =	sadd.s32 s3, s2  }
0x8d: {  	s2 =	sadd.s32 s2, s16  }
0x8e: {  	[smem:$0x3FAF] =	sst s2  }
0x8f: {  	_ = 	snop  }
0x90: {  	(tm) =	ssettm $0x1  }
0x91: {  	s17 =	sld [smem:$0x3FFB];
	_ =	sdelay $0x3  }
0x92: {  	_ =	strace s17  }
0x93: {  	s2 =	sld [smem:$0x3FFC];
	_ =	sdelay $0x3  }
0x94: {  	_ =	strace s2  }
0x95: {  	s2 =	sld [smem:$0x3FFD];
	_ =	sdelay $0x3  }
0x96: {  	_ =	strace s2  }
0x97: {  	_ =	strace $0x8FFFFFFF  }
0x98: {  	s18 =	sld [smem:$0x3FDB];
	_ =	sdelay $0x1  }
0x99: {  	s19 =	simm.s32 $_scs_section_size  }
0x9a: {  	s4 =	simm.s32 $_size__tile_overlayer_lowered;
	s5 =	simm.s32 $_tile_overlayer_lowered  }
0x9b: {  	s22 =	simm.s32 $0x1BFF;
	s21 =	sshll.u32 s5, $0x1;
	s2 =	sadd.s32 s19, s18  }
0x9c: {  	s6 =	simm.s32 $0x0;
	s20 =	sshll.u32 s4, $0x1;
	s4 =	sadd.s32 s21, s2  }
0x9d: {  	[timem:s6], [sflag:s22] =	dma.local [hbm:s4], s20  }
0x9e: {  	_ =	swait.ge [sflag:s22], s20  }
0x9f: {  	s3 =	ssub.s32 $0x0, s20;
	[sflag:s22] =	ssyncset.done $0x0  }
0xa0: {  	[sflag:s22] =	ssyncadd.s32 s3;
	_ =	sdelay $0x1  }
0xa1: {  	s23 =	simm.s32 $0x1B8B  }
0xa2: {  	_ =	swait.ge [sflag:s23], $0x1  }
0xa3: {  	[sflag:s23] =	ssyncset.done $0x0  }
0xa4: {  	s25 =	simm.s32 $0x1B8E;
	s24 =	sld [smem:$0x3FFE];
	[sflag:s23] =	ssyncadd.s32 $0xFFFFFFFF  }
0xa5: {  	s26 =	simm.s32 $execute0_lowered;
	[smem:$0x3FD2] =	sst s25  }
0xa6: {  	s4 =	sshll.u32 s26, $0x1;
	_ =	strace $0x80000046;
	[dreg:$0x1] =	wrdreg $0xFFFFFFFF  }
0xa7: {  	s28 =	simm.s32 $_size_execute0_lowered;
	s2 =	sadd.s32 s2, s4;
	[dreg:$0x0] =	wrdreg $0x0  }
0xa8: {  	s4 =	sshll.u32 s28, $0x1;
	[dreg:$0x2] =	wrdreg s2  }
0xa9: {  	[dreg:$0x3] =	wrdreg s4  }
0xaa: {  	[dreg:$0x4] =	wrdreg $0xC0  }
0xab: {  	_ =	task [dreg:s6], $0x5FFFF  }
0xac: {  	[dreg:$0x1] =	wrdreg $0xFFFFFFFF  }
0xad: {  	[dreg:$0x0] =	wrdreg $0x60  }
0xae: {  	[dreg:$0x2] =	wrdreg s24  }
0xaf: {  	[dreg:$0x3] =	wrdreg $0x52000  }
0xb0: {  	[dreg:$0x4] =	wrdreg $0x9  }
0xb1: {  	_ =	task.clear_ibuf [dreg:s6], $0x5FFFF;
	_ =	strace $0x90000046  }
0xb2: {  	s29 =	simm.s32 $0x9;
	_ =	strace $0x80000048  }
0xb3: {  	_ =	swait.ge [sflag:s29], $0x1  }
0xb4: {  	[sflag:s29] =	ssyncadd.s32 $0xFFFFFFFF  }
0xb5: {  	_ =	strace $0x90000048  }
0xb6: {  	_ =	sfence  }
0xb7: {  	s30 =	sld [smem:$0x0];
	_ =	sdelay $0x2  }
0xb8: {  	s31 =	sshll.u32 s1, $0xD;
	s1 =	sshrl.u32 s1, $0x2  }
0xb9: {  	s3 =	sand.u32 $0x4000, s31;
	s1 =	sadd.s32 s1, s30  }
0xba: {  	s0 =	sor.u32 s3, s0;
	s1 =	sshll.u32 s1, $0x11  }
0xbb: {  	s0 =	sor.u32 s1, s0  }
0xbc: {  	s0 =	sadd.s32 $0x8F2B, s0  }
0xbd: {  	[sflag:s0] =	ssyncadd.remote.s32 $0x1  }
0xbe: {  	_ =	sfence.sel $0xFFFF  }
0xbf: {  	[dreg:$0x0] =	wrdreg $0xFFFFFFFF;
	(pc) =	sbr.abs _section_cstart, $3  }
0xc0: {  	[dreg:$0x1] =	wrdreg $0xFFFFFFFF  }
0xc1: {  	_ =	task.clear_ibuf [dreg:s6], $0x2FFFF;
	_ =	strace $0x9FFFFFFF  }
0xc2: {  	(tm) =	ssettm $0x7FFFFFFF  }
0xc3: {  	_ =	shalt  }
tec
execute0_lowered:
.L_overlay_start_1:
0x0: {  	(tag) =	ssettag $0x1  }
0x1: {  	s6 =	rddreg [dreg:$0x0]  }
0x2: {  	s2 =	rddreg [dreg:$0x1]  }
0x3: {  	s0 =	rddreg [dreg:$0x2]  }
0x4: {  	s3 =	simm.s32 $0x0;
	s4 =	srdreg.scid;
	s1 =	stileid.u32  }
0x5: {  	s20 =	simm.s32 $0x2A00;
	s21 =	simm.s32 $0x100;
	s22 =	simm.s32 $0x1  }
0x6: {  	s23 =	simm.s32 $0x180;
	s24 =	simm.s32 $0x2;
	s25 =	simm.s32 $0x0  }
0x7: {  	[smem:$0x7FF] =	sst s3;
	s5 =	sand.u32 $0x1, s4;
	s7 =	smul.u32 $0xC800, s1  }
0x8: {  	s4 =	sadd.s32 $0x68400, s6;
	s14 =	sadd.s32 $0x9A400, s6;
	s11 =	smul.u32 $0x9E00, s1  }
0x9: {  	s15 =	sadd.s32 $0xC1C00, s6;
	s29 =	sshll.u32 s1, $0x6;
	s19 =	smul.u32 $0x13C0, s1  }
0xa: {  	_ =	strace $0x80000047;
	s8 =	smul.u32 $0xC8000, s5;
	s10 =	ssub.s32 $0x2, s5  }
0xb: {  	s9 =	smul.u32 $0x9E000, s5;
	s5 =	sadd.s32 $0x4A00, s6;
	s12 =	sshrl.u32 s10, $0x1  }
0xc: {  	s16 =	sadd.s32 s7, s2;
	s8 =	sadd.s32 s7, s8;
	s10 =	ssub.s32 s10, s12  }
0xd: {  	s28 =	sadd.s32 s11, s9;
	s11 =	sshrl.u32 s11, $0x3;
	s16 =	sshrl.u32 s16, $0x3  }
0xe: {  	s8 =	sshrl.u32 s8, $0x3;
	s30 =	sshrl.u32 s28, $0x3;
	s9 =	smax.u32 s10, $0x1  }
0xf: {  	s13 =	sadd.s32 s15, s11;
	s17 =	sor.u32 $0x100, s28;
	s18 =	sor.u32 $0x80, s28  }
0x10: {  	s15 =	sadd.s32 s19, s15;
	s19 =	simm.s32 $0x200;
	s8 =	sadd.s32 s8, s6  }
0x11: {  	s6 =	sor.u32 $0x1C03, s29;
	s7 =	sadd.s32 s14, s30;
	s11 =	sadd.s32 $0x13A0, s13  }
0x12: {  	s17 =	sshrl.u32 s17, $0x3;
	s12 =	sadd.s32 $0x13B0, s13;
	s31 =	sshrl.u32 s18, $0x3  }
0x13: {  	s18 =	simm.s32 $0x80;
	s8 =	sadd.s32 $0xD5800, s8;
	s10 =	sadd.s32 $0x13B0, s7  }
0x14: {  	s13 =	sadd.s32 s17, s14;
	s14 =	sadd.s32 s31, s14;
	s17 =	simm.s32 $0x3  }
.LBB2_1:
0x15: {  	[spmem:s16], [sflag:s6] =	dma.local [hbm:s5], $0x1900  }
0x16: {  	_ =	swait.ge [sflag:s17], $0x1900  }
0x17: {  	[sflag:s17] =	ssyncset.done $0x0  }
0x18: {  	[sflag:s17] =	ssyncadd.s32 $0xFFFFE700  }
0x19: {  	[bflag:$0x0] =	sbarrier.arrive $0xFFFF  }
0x1a: {  	[tilespmem:s3], [sflag:$0x3] =	stream.linear.gather [hbm4b:s7+s3], $0x80, $0x38;
	[tilespmem:$0x11A00] =	vst v63  }
0x1b: {  	_ =	swait.ge [sflag:s17], $0x80  }
0x1c: {  	[sflag:s17] =	ssyncset.done $0x0  }
0x1d: {  	[sflag:s17] =	ssyncadd.s32 $0xFFFFFF80  }
0x1e: {  	[tilespmem:s19], [sflag:$0x1] =	stream.indirect.gather [hbm4b:s4+s18], $0x50, s3, s18, $0xb8;
	[tilespmem:$0x11A00] =	vst v63  }
0x1f: {  	s26 =	sadd.s32 $0x0, s14  }
0x20: {  	[tilespmem:s18], [sflag:$0x3] =	stream.linear.gather [hbm4b:s26+s3], $0x80, $0x38;
	[tilespmem:$0x11A00] =	vst v63  }
0x21: {  	_ =	swait.ge [sflag:s17], $0x80  }
0x22: {  	[sflag:s17] =	ssyncset.done $0x0  }
0x23: {  	[sflag:s17] =	ssyncadd.s32 $0xFFFFFF80  }
0x24: {  	[tilespmem:s20], [sflag:$0x2] =	stream.indirect.gather [hbm4b:s4+s18], $0x50, s18, s18, $0xb8;
	[tilespmem:$0x11A00] =	vst v63  }
0x25: {  	s31 =	sadd.s32 $0x0, s15  }
0x26: {  	[tilespmem:s21], [sflag:$0x3] =	stream.linear.gather [hbm4b:s31+s3], $0x80, $0x38;
	[tilespmem:$0x11A00] =	vst v63  }
0x27: {  	_ =	swait.ge [sflag:s17], $0x80  }
0x28: {  	[sflag:s17] =	ssyncset.done $0x0  }
0x29: {  	[sflag:s17] =	ssyncadd.s32 $0xFFFFFF80  }
0x2a: {  	_ =	swait.ge [sflag:s22], $0x2800  }
0x2b: {  	[sflag:s22] =	ssyncset.done $0x0  }
0x2c: {  	[sflag:s22] =	ssyncadd.s32 $0xFFFFD800  }
0x2d: {  	[spmem:s2] =	stream.indirect.scatter.add.f32 [tilespmem:s19], [sflag:$0x3], $0x50, s21, s18, $0xb8;
	[tilespmem:$0x11A00] =	vst v63  }
0x2e: {  	_ =	swait.ge [sflag:s17], $0x2800  }
0x2f: {  	[sflag:s17] =	ssyncset.done $0x0  }
0x30: {  	s28 =	sadd.s32 $0x0, s13;
	[sflag:s17] =	ssyncadd.s32 $0xFFFFD800  }
0x31: {  	[tilespmem:s3], [sflag:$0x3] =	stream.linear.gather [hbm4b:s28+s3], $0x80, $0x38;
	[tilespmem:$0x11A00] =	vst v63  }
0x32: {  	_ =	swait.ge [sflag:s17], $0x80  }
0x33: {  	[sflag:s17] =	ssyncset.done $0x0  }
0x34: {  	[sflag:s17] =	ssyncadd.s32 $0xFFFFFF80  }
0x35: {  	[tilespmem:s19], [sflag:$0x1] =	stream.indirect.gather [hbm4b:s4+s18], $0x50, s3, s18, $0xb8;
	[tilespmem:$0x11A00] =	vst v63  }
0x36: {  	s26 =	sadd.s32 $0x10, s31  }
0x37: {  	[tilespmem:s23], [sflag:$0x3] =	stream.linear.gather [hbm4b:s26+s3], $0x80, $0x38;
	[tilespmem:$0x11A00] =	vst v63  }
0x38: {  	_ =	swait.ge [sflag:s17], $0x80  }
0x39: {  	[sflag:s17] =	ssyncset.done $0x0  }
0x3a: {  	[sflag:s17] =	ssyncadd.s32 $0xFFFFFF80  }
0x3b: {  	_ =	swait.ge [sflag:s24], $0x2800  }
0x3c: {  	[sflag:s24] =	ssyncset.done $0x0  }
0x3d: {  	[sflag:s24] =	ssyncadd.s32 $0xFFFFD800  }
0x3e: {  	[spmem:s2] =	stream.indirect.scatter.add.f32 [tilespmem:s20], [sflag:$0x3], $0x50, s23, s18, $0xb8;
	[tilespmem:$0x11A00] =	vst v63  }
0x3f: {  	_ =	swait.ge [sflag:s17], $0x2800  }
0x40: {  	s29 =	simm.s32 $0x40;
	s26 =	simm.s32 $0x20;
	[sflag:s17] =	ssyncset.done $0x0  }
.LBB2_2:
0x41: {  	s30 =	sadd.s32 s26, s14  }
0x42: {  	[sflag:s17] =	ssyncadd.s32 $0xFFFFD800;
	s31 =	smov.u32 s29;
	s28 =	sadd.s32 $0x20, s29  }
0x43: {  	[tilespmem:s18], [sflag:$0x3] =	stream.linear.gather [hbm4b:s30+s3], $0x80, $0x38;
	[tilespmem:$0x11A00] =	vst v63  }
0x44: {  	p0 =	sne.s32 s29, $0x1380;
	_ =	swait.ge [sflag:s17], $0x80  }
0x45: {  	[sflag:s17] =	ssyncset.done $0x0  }
0x46: {  	[sflag:s17] =	ssyncadd.s32 $0xFFFFFF80  }
0x47: {  	[tilespmem:s20], [sflag:$0x2] =	stream.indirect.gather [hbm4b:s4+s18], $0x50, s18, s18, $0xb8;
	[tilespmem:$0x11A00] =	vst v63  }
0x48: {  	s29 =	sadd.s32 s26, s15  }
0x49: {  	[tilespmem:s21], [sflag:$0x3] =	stream.linear.gather [hbm4b:s29+s3], $0x80, $0x38;
	[tilespmem:$0x11A00] =	vst v63  }
0x4a: {  	_ =	swait.ge [sflag:s17], $0x80  }
0x4b: {  	[sflag:s17] =	ssyncset.done $0x0  }
0x4c: {  	[sflag:s17] =	ssyncadd.s32 $0xFFFFFF80  }
0x4d: {  	_ =	swait.ge [sflag:s22], $0x2800  }
0x4e: {  	[sflag:s22] =	ssyncset.done $0x0  }
0x4f: {  	[sflag:s22] =	ssyncadd.s32 $0xFFFFD800  }
0x50: {  	[spmem:s2] =	stream.indirect.scatter.add.f32 [tilespmem:s19], [sflag:$0x3], $0x50, s21, s18, $0xb8;
	[tilespmem:$0x11A00] =	vst v63  }
0x51: {  	_ =	swait.ge [sflag:s17], $0x2800  }
0x52: {  	[sflag:s17] =	ssyncset.done $0x0  }
0x53: {  	s30 =	sadd.s32 s26, s13;
	s26 =	smov.u32 s31;
	[sflag:s17] =	ssyncadd.s32 $0xFFFFD800  }
0x54: {  	[tilespmem:s3], [sflag:$0x3] =	stream.linear.gather [hbm4b:s30+s3], $0x80, $0x38;
	[tilespmem:$0x11A00] =	vst v63  }
0x55: {  	_ =	swait.ge [sflag:s17], $0x80  }
0x56: {  	[sflag:s17] =	ssyncset.done $0x0  }
0x57: {  	[sflag:s17] =	ssyncadd.s32 $0xFFFFFF80  }
0x58: {  	[tilespmem:s19], [sflag:$0x1] =	stream.indirect.gather [hbm4b:s4+s18], $0x50, s3, s18, $0xb8;
	[tilespmem:$0x11A00] =	vst v63  }
0x59: {  	s29 =	sadd.s32 $0x10, s29  }
0x5a: {  	[tilespmem:s23], [sflag:$0x3] =	stream.linear.gather [hbm4b:s29+s3], $0x80, $0x38;
	[tilespmem:$0x11A00] =	vst v63  }
0x5b: {  	_ =	swait.ge [sflag:s17], $0x80  }
0x5c: {  	[sflag:s17] =	ssyncset.done $0x0  }
0x5d: {  	[sflag:s17] =	ssyncadd.s32 $0xFFFFFF80  }
0x5e: {  	_ =	swait.ge [sflag:s24], $0x2800  }
.Ltmp0:
0x5f: {  	[sflag:s24] =	ssyncset.done $0x0;
	(pc) =	sbr.rel @p0 .LBB2_2-.Ltmp0, $4  }
0x60: {  	[sflag:s24] =	ssyncadd.s32 $0xFFFFD800  }
0x61: {  	[spmem:s2] =	stream.indirect.scatter.add.f32 [tilespmem:s20], [sflag:$0x3], $0x50, s23, s18, $0xb8;
	[tilespmem:$0x11A00] =	vst v63  }
0x62: {  	_ =	swait.ge [sflag:s17], $0x2800  }
0x63: {  	s29 =	smov.u32 s28;
	[sflag:s17] =	ssyncset.done $0x0  }
0x64: {  	s28 =	sadd.s32 s26, s14;
	[sflag:s17] =	ssyncadd.s32 $0xFFFFD800  }
0x65: {  	[tilespmem:s18], [sflag:$0x3] =	stream.linear.gather [hbm4b:s28+s3], $0x80, $0x38;
	[tilespmem:$0x11A00] =	vst v63  }
0x66: {  	_ =	swait.ge [sflag:s17], $0x80  }
0x67: {  	[sflag:s17] =	ssyncset.done $0x0  }
0x68: {  	[sflag:s17] =	ssyncadd.s32 $0xFFFFFF80  }
0x69: {  	[tilespmem:s20], [sflag:$0x2] =	stream.indirect.gather [hbm4b:s4+s18], $0x50, s18, s18, $0xb8;
	[tilespmem:$0x11A00] =	vst v63  }
0x6a: {  	s29 =	sadd.s32 s26, s15  }
0x6b: {  	[tilespmem:s21], [sflag:$0x3] =	stream.linear.gather [hbm4b:s29+s3], $0x80, $0x38;
	[tilespmem:$0x11A00] =	vst v63  }
0x6c: {  	_ =	swait.ge [sflag:s17], $0x80  }
0x6d: {  	[sflag:s17] =	ssyncset.done $0x0  }
0x6e: {  	[sflag:s17] =	ssyncadd.s32 $0xFFFFFF80  }
0x6f: {  	_ =	swait.ge [sflag:s22], $0x2800  }
0x70: {  	[sflag:s22] =	ssyncset.done $0x0  }
0x71: {  	[sflag:s22] =	ssyncadd.s32 $0xFFFFD800  }
0x72: {  	[spmem:s2] =	stream.indirect.scatter.add.f32 [tilespmem:s19], [sflag:$0x3], $0x50, s21, s18, $0xb8;
	[tilespmem:$0x11A00] =	vst v63  }
0x73: {  	_ =	swait.ge [sflag:s17], $0x2800  }
0x74: {  	[sflag:s17] =	ssyncset.done $0x0  }
0x75: {  	s30 =	sadd.s32 s26, s13;
	[sflag:s17] =	ssyncadd.s32 $0xFFFFD800  }
0x76: {  	[tilespmem:s3], [sflag:$0x3] =	stream.linear.gather [hbm4b:s30+s3], $0x80, $0x38;
	[tilespmem:$0x11A00] =	vst v63  }
0x77: {  	_ =	swait.ge [sflag:s17], $0x80  }
0x78: {  	[sflag:s17] =	ssyncset.done $0x0  }
0x79: {  	[sflag:s17] =	ssyncadd.s32 $0xFFFFFF80  }
0x7a: {  	[tilespmem:s19], [sflag:$0x1] =	stream.indirect.gather [hbm4b:s4+s18], $0x50, s3, s18, $0xb8;
	[tilespmem:$0x11A00] =	vst v63  }
0x7b: {  	s31 =	sadd.s32 $0x10, s29  }
0x7c: {  	[tilespmem:s23], [sflag:$0x3] =	stream.linear.gather [hbm4b:s31+s3], $0x80, $0x38;
	[tilespmem:$0x11A00] =	vst v63  }
0x7d: {  	_ =	swait.ge [sflag:s17], $0x80  }
0x7e: {  	[sflag:s17] =	ssyncset.done $0x0  }
0x7f: {  	[sflag:s17] =	ssyncadd.s32 $0xFFFFFF80  }
0x80: {  	_ =	swait.ge [sflag:s24], $0x2800  }
0x81: {  	[sflag:s24] =	ssyncset.done $0x0  }
0x82: {  	[sflag:s24] =	ssyncadd.s32 $0xFFFFD800  }
0x83: {  	[spmem:s2] =	stream.indirect.scatter.add.f32 [tilespmem:s20], [sflag:$0x3], $0x50, s23, s18, $0xb8;
	[tilespmem:$0x11A00] =	vst v63  }
0x84: {  	_ =	swait.ge [sflag:s17], $0x2800  }
0x85: {  	[sflag:s17] =	ssyncset.done $0x0  }
0x86: {  	[sflag:s17] =	ssyncadd.s32 $0xFFFFD800  }
0x87: {  	[tilespmem:s18], [sflag:$0x3] =	stream.linear.gather [hbm4b:s10+s3], $0x80, $0x38;
	[tilespmem:$0x11A00] =	vst v63  }
0x88: {  	_ =	swait.ge [sflag:s17], $0x80  }
0x89: {  	[sflag:s17] =	ssyncset.done $0x0  }
0x8a: {  	[sflag:s17] =	ssyncadd.s32 $0xFFFFFF80  }
0x8b: {  	[tilespmem:s20], [sflag:$0x2] =	stream.indirect.gather [hbm4b:s4+s18], $0x50, s18, s18, $0xb8;
	[tilespmem:$0x11A00] =	vst v63  }
0x8c: {  	_ = 	snop  }
0x8d: {  	[tilespmem:s21], [sflag:$0x3] =	stream.linear.gather [hbm4b:s11+s3], $0x80, $0x38;
	[tilespmem:$0x11A00] =	vst v63  }
0x8e: {  	_ =	swait.ge [sflag:s17], $0x80  }
0x8f: {  	[sflag:s17] =	ssyncset.done $0x0  }
0x90: {  	[sflag:s17] =	ssyncadd.s32 $0xFFFFFF80  }
0x91: {  	_ =	swait.ge [sflag:s22], $0x2800  }
0x92: {  	[sflag:s22] =	ssyncset.done $0x0  }
0x93: {  	[sflag:s22] =	ssyncadd.s32 $0xFFFFD800  }
0x94: {  	[spmem:s2] =	stream.indirect.scatter.add.f32 [tilespmem:s19], [sflag:$0x3], $0x50, s21, s18, $0xb8;
	[tilespmem:$0x11A00] =	vst v63  }
0x95: {  	_ =	swait.ge [sflag:s17], $0x2800  }
0x96: {  	[sflag:s17] =	ssyncset.done $0x0  }
0x97: {  	[sflag:s17] =	ssyncadd.s32 $0xFFFFD800  }
0x98: {  	[tilespmem:s3], [sflag:$0x3] =	stream.linear.gather [hbm4b:s10+s3], $0x80, $0x38;
	[tilespmem:$0x11A00] =	vst v63  }
0x99: {  	_ =	swait.ge [sflag:s17], $0x80  }
0x9a: {  	[sflag:s17] =	ssyncset.done $0x0  }
0x9b: {  	[sflag:s17] =	ssyncadd.s32 $0xFFFFFF80  }
0x9c: {  	[tilespmem:s19], [sflag:$0x1] =	stream.indirect.gather [hbm4b:s4+s18], $0x50, s3, s18, $0xb8;
	[tilespmem:$0x11A00] =	vst v63  }
0x9d: {  	_ = 	snop  }
0x9e: {  	[tilespmem:s23], [sflag:$0x3] =	stream.linear.gather [hbm4b:s12+s3], $0x80, $0x38;
	[tilespmem:$0x11A00] =	vst v63  }
0x9f: {  	_ =	swait.ge [sflag:s17], $0x80  }
0xa0: {  	[sflag:s17] =	ssyncset.done $0x0  }
0xa1: {  	[sflag:s17] =	ssyncadd.s32 $0xFFFFFF80  }
0xa2: {  	_ =	swait.ge [sflag:s24], $0x2800  }
0xa3: {  	[sflag:s24] =	ssyncset.done $0x0  }
0xa4: {  	[sflag:s24] =	ssyncadd.s32 $0xFFFFD800  }
0xa5: {  	[spmem:s2] =	stream.indirect.scatter.add.f32 [tilespmem:s20], [sflag:$0x3], $0x50, s23, s18, $0xb8;
	[tilespmem:$0x11A00] =	vst v63  }
0xa6: {  	_ =	swait.ge [sflag:s17], $0x2800  }
0xa7: {  	[sflag:s17] =	ssyncset.done $0x0  }
0xa8: {  	[sflag:s17] =	ssyncadd.s32 $0xFFFFD800  }
0xa9: {  	_ =	swait.ge [sflag:s22], $0x2800  }
0xaa: {  	s25 =	sadd.s32 $0x1, s25;
	[sflag:s22] =	ssyncset.done $0x0  }
0xab: {  	p0 =	sne.s32 s25, s9;
	[sflag:s22] =	ssyncadd.s32 $0xFFFFD800  }
.Ltmp1:
0xac: {  	[bflag:$0x0] =	sbarrier.arrive $0xFFFF;
	(pc) =	sbr.rel @p0 .LBB2_1-.Ltmp1, $4  }
0xad: {  	[hbm:s8], [sflag:s6] =	dma.local [spmem:s16], $0x1900  }
0xae: {  	_ =	swait.ge [sflag:s17], $0x1900  }
0xaf: {  	[sflag:s17] =	ssyncset.done $0x0  }
0xb0: {  	[sflag:s17] =	ssyncadd.s32 $0xFFFFE700  }
0xb1: {  	_ =	sfence.sel $0x180000  }
0xb2: {  	[bflag:$0x0] =	sbarrier.arrive $0xFFFF  }
0xb3: {  	p0 =	sne.s32 s1, $0x0;
	_ =	strace $0x90000047  }
0xb4: {  	s0 =	sadd.s32 @!p0 $0x100000, s0;
	[bflag:$0x2] =	sbarrier.arrive $0xFFFF  }
0xb5: {  	[sflag:s0] =	ssyncadd.tile.s32 @!p0 $0x1;
	_ =	shalt  }
.Lfunc_end2:
_tile_overlayer_lowered:
.L_overlay_start_2:
0xb6: {  	(tag) =	ssettag $0x2  }
0xb7: {  	s0 =	rddreg [dreg:$0x0];
	s2 =	stileid.u32  }
0xb8: {  	s1 =	rddreg [dreg:$0x1];
	p0 =	sne.s32 s2, $0x0  }
0xb9: {  	s3 =	rddreg [dreg:$0x2];
	[bflag:$0x3] =	sbarrier.arrive $0xFFFF;
	s2 =	simm.s32 @!p0 $0x1C03  }
0xba: {  	[timem:s3], [sflag:s2] =	dma.local @!p0 [hbm:s0], s1  }
0xbb: {  	s0 =	simm.s32 @!p0 $0x3  }
0xbc: {  	_ =	swait.ge @!p0 [sflag:s0], s1  }
0xbd: {  	s1 =	ssub.s32 @!p0 $0x0, s1;
	[sflag:s0] =	ssyncset.done @!p0 $0x0  }
0xbe: {  	[sflag:s0] =	ssyncadd.s32 @!p0 s1  }
0xbf: {  	[bflag:$0x3] =	sbarrier.arrive $0xFFFF  }
0xc0: {  	_ =	shalt  }

// kernel: kernel.13.cloned.1.call-start
scs
__scs_entry_jumppad:
0x0: {  	(pc) =	sbr.rel $0x88, $3  }
0x1: {  	(tag) =	ssettag $0x0;
	lr =	simm.s32 $0x1  }
0x2: {  	[smem:$0x3F88] =	sst lr;
	_ =	strace $0xD0000000  }
0x3: {  	_ = 	snop  }
0x4: {  	_ = 	snop  }
0x5: {  	_ = 	snop  }
0x6: {  	_ = 	snop  }
0x7: {  	_ = 	snop  }
__scs_overlays_trampoline_lowered:
0x8: {  	[smem:$0x3F97] =	sst s0  }
0x9: {  	[smem:$0x3F98] =	sst s1  }
0xa: {  	[smem:$0x3F99] =	sst s2  }
0xb: {  	[smem:$0x3F9A] =	sst s3  }
0xc: {  	[smem:$0x3F9B] =	sst s4  }
0xd: {  	[smem:$0x3F9C] =	sst s5  }
0xe: {  	[smem:$0x3F9D] =	sst s6  }
0xf: {  	[smem:$0x3F9E] =	sst s7  }
0x10: {  	[smem:$0x3F9F] =	sst s8  }
0x11: {  	[smem:$0x3FA0] =	sst s9;
	s0 =	simm.s32 @!p0 $0x0  }
0x12: {  	s1 =	sld [smem:$0x3F86];
	s0 =	simm.s32 @p0 $0x1  }
0x13: {  	[smem:$0x3FA1] =	sst s0;
	s0 =	simm.s32 @!p1 $0x0  }
0x14: {  	s2 =	sld [smem:$0x3F85];
	s0 =	simm.s32 @p1 $0x1  }
0x15: {  	[smem:$0x3FA2] =	sst s0;
	s0 =	simm.s32 @!p2 $0x0  }
0x16: {  	s3 =	sld [smem:$0x3FDB];
	s0 =	simm.s32 @p2 $0x1  }
0x17: {  	s4 =	simm.s32 $0x1BF5;
	[smem:$0x3FA4] =	sst s0  }
0x18: {  	s0 =	sld [smem:$0x3F87];
	_ =	swait.ge [sflag:s4], $0x0  }
0x19: {  	s7 =	sld [smem:$0x3F88]  }
0x1a: {  	s8 =	sadd.s32 $0xFFFFE003, lr  }
0x1b: {  	s9 =	sadd.s32 $0xFFFFFEF7, lr;
	s5 =	simm.s32 $0xFFFFFFFF;
	p2 =	slt.u32 s8, $0xFFFFF086  }
0x1c: {  	p1 =	slt.u32 s9, $0xF7A;
	s5 =	simm.s32 @!p2 $0x0  }
0x1d: {  	s5 =	simm.s32 @p1 $0x1;
	p0 =	seq.s32 s7, s2  }
0x1e: {  	s7 =	smul.u32 @!p0 $0xF7A, s2;
	p2 =	seq.s32 @!p0 s5, $0x0  }
0x1f: {  	s9 =	smul.u32 $0xF7A, s1;
	s8 =	simm.s32 @!p0 $0x1BF5;
	p2 =	por !p2, p0  }
0x20: {  	[sflag:s8] =	ssyncset.s32 @!p0 $0xFFFFF086;
	s6 =	sadd.s32 @!p0 s3, s7;
	s7 =	simm.s32 @!p0 $0x108  }
0x21: {  	s3 =	sadd.s32 s3, s9;
	s6 =	sadd.s32 @!p0 $0x88, s6;
	s7 =	simm.s32 @p2 $0x1082  }
0x22: {  	[simem:s7], [sflag:s8] =	dma.local @!p0 [hbm:s6], $0xF7A  }
0x23: {  	s9 =	sor.u32 $0xD0000000, s2;
	s6 =	simm.s32 $0x108;
	_ =	swait.ge @!p0 [sflag:s8], $0x0  }
0x24: {  	s3 =	sadd.s32 $0x88, s3;
	s6 =	simm.s32 @!p1 $0x1082;
	[sflag:s4] =	ssyncset.s32 $0xFFFFF086  }
0x25: {  	[simem:s6], [sflag:s4] =	dma.local [hbm:s3], $0xF7A  }
0x26: {  	[smem:$0x3F88] =	sst s1;
	(tag) =	ssettag s2;
	_ =	strace s9  }
0x27: {  	s1 =	sld [smem:$0x3F98]  }
0x28: {  	s2 =	sld [smem:$0x3F99]  }
0x29: {  	s4 =	sld [smem:$0x3F9B]  }
0x2a: {  	p0 =	seq.s32 s5, $0x0;
	s5 =	sld [smem:$0x3F9C]  }
0x2b: {  	s6 =	sld [smem:$0x3F9D]  }
0x2c: {  	s7 =	sld [smem:$0x3F9E]  }
0x2d: {  	s3 =	simm.s32 $0x108;
	s8 =	sld [smem:$0x3F9F]  }
0x2e: {  	s3 =	simm.s32 @!p0 $0x1082;
	s9 =	sld [smem:$0x3FA0]  }
0x2f: {  	lr =	sadd.s32 s0, s3;
	s0 =	sld [smem:$0x3F97]  }
0x30: {  	s3 =	sld [smem:$0x3F9A]  }
0x31: {  	[smem:$0x3FA3] =	sst s10  }
0x32: {  	s10 =	sld [smem:$0x3FA1];
	_ =	sdelay $0x3  }
0x33: {  	p0 =	seq.s32 s10, $0x1;
	s10 =	sld [smem:$0x3FA3];
	_ =	sdelay $0x3  }
0x34: {  	[smem:$0x3FA3] =	sst s10  }
0x35: {  	s10 =	sld [smem:$0x3FA2];
	_ =	sdelay $0x3  }
0x36: {  	p1 =	seq.s32 s10, $0x1;
	s10 =	sld [smem:$0x3FA3];
	_ =	sdelay $0x3  }
0x37: {  	[smem:$0x3FA3] =	sst s10  }
0x38: {  	s10 =	sld [smem:$0x3FA4]  }
0x39: {  	_ = 	snop;
	(pc) =	sbr.ind lr, $3  }
0x3a: {  	_ = 	snop  }
0x3b: {  	_ = 	snop  }
0x3c: {  	p2 =	seq.s32 s10, $0x1;
	s10 =	sld [smem:$0x3FA3]  }
0x3d: {  	_ =	shalt  }
0x3e: {  	_ =	shalt  }
0x3f: {  	_ =	shalt  }
0x40: {  	_ =	shalt  }
0x41: {  	_ =	shalt  }
0x42: {  	_ =	shalt  }
0x43: {  	_ =	shalt  }
0x44: {  	_ =	shalt  }
0x45: {  	_ =	shalt  }
0x46: {  	_ =	shalt  }
0x47: {  	_ =	shalt  }
0x48: {  	_ =	shalt  }
0x49: {  	_ =	shalt  }
0x4a: {  	_ =	shalt  }
0x4b: {  	_ =	shalt  }
0x4c: {  	_ =	shalt  }
0x4d: {  	_ =	shalt  }
0x4e: {  	_ =	shalt  }
0x4f: {  	_ =	shalt  }
0x50: {  	_ =	shalt  }
0x51: {  	_ =	shalt  }
0x52: {  	_ =	shalt  }
0x53: {  	_ =	shalt  }
0x54: {  	_ =	shalt  }
0x55: {  	_ =	shalt  }
0x56: {  	_ =	shalt  }
0x57: {  	_ =	shalt  }
0x58: {  	_ =	shalt  }
0x59: {  	_ =	shalt  }
0x5a: {  	_ =	shalt  }
0x5b: {  	_ =	shalt  }
0x5c: {  	_ =	shalt  }
0x5d: {  	_ =	shalt  }
0x5e: {  	_ =	shalt  }
0x5f: {  	_ =	shalt  }
0x60: {  	_ =	shalt  }
0x61: {  	_ =	shalt  }
0x62: {  	_ =	shalt  }
0x63: {  	_ =	shalt  }
0x64: {  	_ =	shalt  }
0x65: {  	_ =	shalt  }
0x66: {  	_ =	shalt  }
0x67: {  	_ =	shalt  }
0x68: {  	_ =	shalt  }
0x69: {  	_ =	shalt  }
0x6a: {  	_ =	shalt  }
0x6b: {  	_ =	shalt  }
0x6c: {  	_ =	shalt  }
0x6d: {  	_ =	shalt  }
0x6e: {  	_ =	shalt  }
0x6f: {  	_ =	shalt  }
0x70: {  	_ =	shalt  }
0x71: {  	_ =	shalt  }
0x72: {  	_ =	shalt  }
0x73: {  	_ =	shalt  }
0x74: {  	_ =	shalt  }
0x75: {  	_ =	shalt  }
0x76: {  	_ =	shalt  }
0x77: {  	_ =	shalt  }
0x78: {  	_ =	shalt  }
0x79: {  	_ =	shalt  }
0x7a: {  	_ =	shalt  }
0x7b: {  	_ =	shalt  }
0x7c: {  	_ =	shalt  }
0x7d: {  	_ =	shalt  }
0x7e: {  	_ =	shalt  }
0x7f: {  	_ =	shalt  }
0x80: {  	_ =	shalt  }
0x81: {  	_ =	shalt  }
0x82: {  	_ =	shalt  }
0x83: {  	_ =	shalt  }
0x84: {  	_ =	shalt  }
0x85: {  	_ =	shalt  }
0x86: {  	_ =	shalt  }
0x87: {  	_ =	shalt  }
.Lfunc_end0:
.L_simem_size_0:
called_computation.1_lowered:
.L_overlay_start_0:
0x88: {  	s2 =	sld [smem:$0x3FD9]  }
0x89: {  	s3 =	sld [smem:$0x3FFE];
	_ =	sdelay $0x1  }
0x8a: {  	s1 =	srdreg.scid  }
0x8b: {  	s0 =	sand.u32 $0x1, s1  }
0x8c: {  	s16 =	sshll.u32 s0, $0xA;
	s2 =	sadd.s32 s3, s2  }
0x8d: {  	s2 =	sadd.s32 s2, s16  }
0x8e: {  	[smem:$0x3FAF] =	sst s2  }
0x8f: {  	_ = 	snop  }
0x90: {  	(tm) =	ssettm $0x1  }
0x91: {  	s17 =	sld [smem:$0x3FFB];
	_ =	sdelay $0x3  }
0x92: {  	_ =	strace s17  }
0x93: {  	s2 =	sld [smem:$0x3FFC];
	_ =	sdelay $0x3  }
0x94: {  	_ =	strace s2  }
0x95: {  	s2 =	sld [smem:$0x3FFD];
	_ =	sdelay $0x3  }
0x96: {  	_ =	strace s2  }
0x97: {  	_ =	strace $0x8FFFFFFF  }
0x98: {  	s18 =	sld [smem:$0x3FDB];
	_ =	sdelay $0x1  }
0x99: {  	s19 =	simm.s32 $_scs_section_size  }
0x9a: {  	s4 =	simm.s32 $_size__tile_overlayer_lowered;
	s5 =	simm.s32 $_tile_overlayer_lowered  }
0x9b: {  	s22 =	simm.s32 $0x1BFF;
	s21 =	sshll.u32 s5, $0x1;
	s2 =	sadd.s32 s19, s18  }
0x9c: {  	s6 =	simm.s32 $0x0;
	s20 =	sshll.u32 s4, $0x1;
	s4 =	sadd.s32 s21, s2  }
0x9d: {  	[timem:s6], [sflag:s22] =	dma.local [hbm:s4], s20  }
0x9e: {  	_ =	swait.ge [sflag:s22], s20  }
0x9f: {  	s3 =	ssub.s32 $0x0, s20;
	[sflag:s22] =	ssyncset.done $0x0  }
0xa0: {  	[sflag:s22] =	ssyncadd.s32 s3;
	_ =	sdelay $0x1  }
0xa1: {  	s23 =	simm.s32 $0x1B8B  }
0xa2: {  	_ =	swait.ge [sflag:s23], $0x1  }
0xa3: {  	[sflag:s23] =	ssyncset.done $0x0  }
0xa4: {  	s25 =	simm.s32 $0x1B8E;
	s24 =	sld [smem:$0x3FFE];
	[sflag:s23] =	ssyncadd.s32 $0xFFFFFFFF  }
0xa5: {  	s26 =	simm.s32 $execute0_lowered;
	[smem:$0x3FD2] =	sst s25  }
0xa6: {  	s4 =	sshll.u32 s26, $0x1;
	_ =	strace $0x80000049;
	[dreg:$0x1] =	wrdreg $0xFFFFFFFF  }
0xa7: {  	s28 =	simm.s32 $_size_execute0_lowered;
	s2 =	sadd.s32 s2, s4;
	[dreg:$0x0] =	wrdreg $0x0  }
0xa8: {  	s4 =	sshll.u32 s28, $0x1;
	[dreg:$0x2] =	wrdreg s2  }
0xa9: {  	[dreg:$0x3] =	wrdreg s4  }
0xaa: {  	[dreg:$0x4] =	wrdreg $0xC0  }
0xab: {  	_ =	task [dreg:s6], $0x5FFFF  }
0xac: {  	[dreg:$0x1] =	wrdreg $0xFFFFFFFF  }
0xad: {  	[dreg:$0x0] =	wrdreg $0x60  }
0xae: {  	[dreg:$0x2] =	wrdreg s24  }
0xaf: {  	[dreg:$0x3] =	wrdreg $0x22000  }
0xb0: {  	[dreg:$0x4] =	wrdreg $0x9  }
0xb1: {  	_ =	task.clear_ibuf [dreg:s6], $0x5FFFF;
	_ =	strace $0x90000049  }
0xb2: {  	s29 =	simm.s32 $0x9;
	_ =	strace $0x8000004B  }
0xb3: {  	_ =	swait.ge [sflag:s29], $0x1  }
0xb4: {  	[sflag:s29] =	ssyncadd.s32 $0xFFFFFFFF  }
0xb5: {  	_ =	strace $0x9000004B  }
0xb6: {  	_ =	sfence  }
0xb7: {  	s30 =	sld [smem:$0x0];
	_ =	sdelay $0x2  }
0xb8: {  	s31 =	sshll.u32 s1, $0xD;
	s1 =	sshrl.u32 s1, $0x2  }
0xb9: {  	s3 =	sand.u32 $0x4000, s31;
	s1 =	sadd.s32 s1, s30  }
0xba: {  	s0 =	sor.u32 s3, s0;
	s1 =	sshll.u32 s1, $0x11  }
0xbb: {  	s0 =	sor.u32 s1, s0  }
0xbc: {  	s0 =	sadd.s32 $0x8F2B, s0  }
0xbd: {  	[sflag:s0] =	ssyncadd.remote.s32 $0x1  }
0xbe: {  	_ =	sfence.sel $0xFFFF  }
0xbf: {  	[dreg:$0x0] =	wrdreg $0xFFFFFFFF;
	(pc) =	sbr.abs _section_cstart, $3  }
0xc0: {  	[dreg:$0x1] =	wrdreg $0xFFFFFFFF  }
0xc1: {  	_ =	task.clear_ibuf [dreg:s6], $0x2FFFF;
	_ =	strace $0x9FFFFFFF  }
0xc2: {  	(tm) =	ssettm $0x7FFFFFFF  }
0xc3: {  	_ =	shalt  }
tec
execute0_lowered:
.L_overlay_start_1:
0x0: {  	(tag) =	ssettag $0x1  }
0x1: {  	s6 =	rddreg [dreg:$0x0]  }
0x2: {  	s2 =	rddreg [dreg:$0x1]  }
0x3: {  	s0 =	rddreg [dreg:$0x2]  }
0x4: {  	s3 =	simm.s32 $0x0;
	s4 =	srdreg.scid;
	s1 =	stileid.u32  }
0x5: {  	s20 =	simm.s32 $0x1200;
	s21 =	simm.s32 $0x100;
	s22 =	simm.s32 $0x1  }
0x6: {  	s23 =	simm.s32 $0x180;
	s24 =	simm.s32 $0x2;
	s25 =	simm.s32 $0x0  }
0x7: {  	[smem:$0x7FF] =	sst s3;
	s5 =	sand.u32 $0x1, s4;
	s7 =	smul.u32 $0x5000, s1  }
0x8: {  	s4 =	sadd.s32 $0x7CA00, s6;
	s14 =	sadd.s32 $0x9A400, s6;
	s11 =	smul.u32 $0x9E00, s1  }
0x9: {  	s15 =	sadd.s32 $0xC1C00, s6;
	s29 =	sshll.u32 s1, $0x6;
	s19 =	smul.u32 $0x13C0, s1  }
0xa: {  	_ =	strace $0x8000004A;
	s8 =	smul.u32 $0x50000, s5;
	s10 =	ssub.s32 $0x2, s5  }
0xb: {  	s9 =	smul.u32 $0x9E000, s5;
	s5 =	sadd.s32 $0x90A00, s6;
	s12 =	sshrl.u32 s10, $0x1  }
0xc: {  	s16 =	sadd.s32 s7, s2;
	s8 =	sadd.s32 s7, s8;
	s10 =	ssub.s32 s10, s12  }
0xd: {  	s28 =	sadd.s32 s11, s9;
	s11 =	sshrl.u32 s11, $0x3;
	s16 =	sshrl.u32 s16, $0x3  }
0xe: {  	s8 =	sshrl.u32 s8, $0x3;
	s30 =	sshrl.u32 s28, $0x3;
	s9 =	smax.u32 s10, $0x1  }
0xf: {  	s13 =	sadd.s32 s15, s11;
	s17 =	sor.u32 $0x100, s28;
	s18 =	sor.u32 $0x80, s28  }
0x10: {  	s15 =	sadd.s32 s19, s15;
	s19 =	simm.s32 $0x200;
	s8 =	sadd.s32 s8, s6  }
0x11: {  	s6 =	sor.u32 $0x1C03, s29;
	s7 =	sadd.s32 s14, s30;
	s11 =	sadd.s32 $0x13A0, s13  }
0x12: {  	s17 =	sshrl.u32 s17, $0x3;
	s12 =	sadd.s32 $0x13B0, s13;
	s31 =	sshrl.u32 s18, $0x3  }
0x13: {  	s18 =	simm.s32 $0x80;
	s8 =	sadd.s32 $0xD5800, s8;
	s10 =	sadd.s32 $0x13B0, s7  }
0x14: {  	s13 =	sadd.s32 s17, s14;
	s14 =	sadd.s32 s31, s14;
	s17 =	simm.s32 $0x3  }
.LBB2_1:
0x15: {  	[spmem:s16], [sflag:s6] =	dma.local [hbm:s5], $0xA00  }
0x16: {  	_ =	swait.ge [sflag:s17], $0xA00  }
0x17: {  	[sflag:s17] =	ssyncset.done $0x0  }
0x18: {  	[sflag:s17] =	ssyncadd.s32 $0xFFFFF600  }
0x19: {  	[bflag:$0x0] =	sbarrier.arrive $0xFFFF  }
0x1a: {  	[tilespmem:s3], [sflag:$0x3] =	stream.linear.gather [hbm4b:s7+s3], $0x80, $0x38;
	[tilespmem:$0x7200] =	vst v63  }
0x1b: {  	_ =	swait.ge [sflag:s17], $0x80  }
0x1c: {  	[sflag:s17] =	ssyncset.done $0x0  }
0x1d: {  	[sflag:s17] =	ssyncadd.s32 $0xFFFFFF80  }
0x1e: {  	[tilespmem:s19], [sflag:$0x1] =	stream.indirect.gather [hbm4b:s4+s18], $0x20, s3, s18, $0xb8;
	[tilespmem:$0x7200] =	vst v63  }
0x1f: {  	s26 =	sadd.s32 $0x0, s14  }
0x20: {  	[tilespmem:s18], [sflag:$0x3] =	stream.linear.gather [hbm4b:s26+s3], $0x80, $0x38;
	[tilespmem:$0x7200] =	vst v63  }
0x21: {  	_ =	swait.ge [sflag:s17], $0x80  }
0x22: {  	[sflag:s17] =	ssyncset.done $0x0  }
0x23: {  	[sflag:s17] =	ssyncadd.s32 $0xFFFFFF80  }
0x24: {  	[tilespmem:s20], [sflag:$0x2] =	stream.indirect.gather [hbm4b:s4+s18], $0x20, s18, s18, $0xb8;
	[tilespmem:$0x7200] =	vst v63  }
0x25: {  	s31 =	sadd.s32 $0x0, s15  }
0x26: {  	[tilespmem:s21], [sflag:$0x3] =	stream.linear.gather [hbm4b:s31+s3], $0x80, $0x38;
	[tilespmem:$0x7200] =	vst v63  }
0x27: {  	_ =	swait.ge [sflag:s17], $0x80  }
0x28: {  	[sflag:s17] =	ssyncset.done $0x0  }
0x29: {  	[sflag:s17] =	ssyncadd.s32 $0xFFFFFF80  }
0x2a: {  	_ =	swait.ge [sflag:s22], $0x1000  }
0x2b: {  	[sflag:s22] =	ssyncset.done $0x0  }
0x2c: {  	[sflag:s22] =	ssyncadd.s32 $0xFFFFF000  }
0x2d: {  	[spmem:s2] =	stream.indirect.scatter.add.f32 [tilespmem:s19], [sflag:$0x3], $0x20, s21, s18, $0xb8;
	[tilespmem:$0x7200] =	vst v63  }
0x2e: {  	_ =	swait.ge [sflag:s17], $0x1000  }
0x2f: {  	[sflag:s17] =	ssyncset.done $0x0  }
0x30: {  	s28 =	sadd.s32 $0x0, s13;
	[sflag:s17] =	ssyncadd.s32 $0xFFFFF000  }
0x31: {  	[tilespmem:s3], [sflag:$0x3] =	stream.linear.gather [hbm4b:s28+s3], $0x80, $0x38;
	[tilespmem:$0x7200] =	vst v63  }
0x32: {  	_ =	swait.ge [sflag:s17], $0x80  }
0x33: {  	[sflag:s17] =	ssyncset.done $0x0  }
0x34: {  	[sflag:s17] =	ssyncadd.s32 $0xFFFFFF80  }
0x35: {  	[tilespmem:s19], [sflag:$0x1] =	stream.indirect.gather [hbm4b:s4+s18], $0x20, s3, s18, $0xb8;
	[tilespmem:$0x7200] =	vst v63  }
0x36: {  	s26 =	sadd.s32 $0x10, s31  }
0x37: {  	[tilespmem:s23], [sflag:$0x3] =	stream.linear.gather [hbm4b:s26+s3], $0x80, $0x38;
	[tilespmem:$0x7200] =	vst v63  }
0x38: {  	_ =	swait.ge [sflag:s17], $0x80  }
0x39: {  	[sflag:s17] =	ssyncset.done $0x0  }
0x3a: {  	[sflag:s17] =	ssyncadd.s32 $0xFFFFFF80  }
0x3b: {  	_ =	swait.ge [sflag:s24], $0x1000  }
0x3c: {  	[sflag:s24] =	ssyncset.done $0x0  }
0x3d: {  	[sflag:s24] =	ssyncadd.s32 $0xFFFFF000  }
0x3e: {  	[spmem:s2] =	stream.indirect.scatter.add.f32 [tilespmem:s20], [sflag:$0x3], $0x20, s23, s18, $0xb8;
	[tilespmem:$0x7200] =	vst v63  }
0x3f: {  	_ =	swait.ge [sflag:s17], $0x1000  }
0x40: {  	s29 =	simm.s32 $0x40;
	s26 =	simm.s32 $0x20;
	[sflag:s17] =	ssyncset.done $0x0  }
.LBB2_2:
0x41: {  	s30 =	sadd.s32 s26, s14  }
0x42: {  	[sflag:s17] =	ssyncadd.s32 $0xFFFFF000;
	s31 =	smov.u32 s29;
	s28 =	sadd.s32 $0x20, s29  }
0x43: {  	[tilespmem:s18], [sflag:$0x3] =	stream.linear.gather [hbm4b:s30+s3], $0x80, $0x38;
	[tilespmem:$0x7200] =	vst v63  }
0x44: {  	p0 =	sne.s32 s29, $0x1380;
	_ =	swait.ge [sflag:s17], $0x80  }
0x45: {  	[sflag:s17] =	ssyncset.done $0x0  }
0x46: {  	[sflag:s17] =	ssyncadd.s32 $0xFFFFFF80  }
0x47: {  	[tilespmem:s20], [sflag:$0x2] =	stream.indirect.gather [hbm4b:s4+s18], $0x20, s18, s18, $0xb8;
	[tilespmem:$0x7200] =	vst v63  }
0x48: {  	s29 =	sadd.s32 s26, s15  }
0x49: {  	[tilespmem:s21], [sflag:$0x3] =	stream.linear.gather [hbm4b:s29+s3], $0x80, $0x38;
	[tilespmem:$0x7200] =	vst v63  }
0x4a: {  	_ =	swait.ge [sflag:s17], $0x80  }
0x4b: {  	[sflag:s17] =	ssyncset.done $0x0  }
0x4c: {  	[sflag:s17] =	ssyncadd.s32 $0xFFFFFF80  }
0x4d: {  	_ =	swait.ge [sflag:s22], $0x1000  }
0x4e: {  	[sflag:s22] =	ssyncset.done $0x0  }
0x4f: {  	[sflag:s22] =	ssyncadd.s32 $0xFFFFF000  }
0x50: {  	[spmem:s2] =	stream.indirect.scatter.add.f32 [tilespmem:s19], [sflag:$0x3], $0x20, s21, s18, $0xb8;
	[tilespmem:$0x7200] =	vst v63  }
0x51: {  	_ =	swait.ge [sflag:s17], $0x1000  }
0x52: {  	[sflag:s17] =	ssyncset.done $0x0  }
0x53: {  	s30 =	sadd.s32 s26, s13;
	s26 =	smov.u32 s31;
	[sflag:s17] =	ssyncadd.s32 $0xFFFFF000  }
0x54: {  	[tilespmem:s3], [sflag:$0x3] =	stream.linear.gather [hbm4b:s30+s3], $0x80, $0x38;
	[tilespmem:$0x7200] =	vst v63  }
0x55: {  	_ =	swait.ge [sflag:s17], $0x80  }
0x56: {  	[sflag:s17] =	ssyncset.done $0x0  }
0x57: {  	[sflag:s17] =	ssyncadd.s32 $0xFFFFFF80  }
0x58: {  	[tilespmem:s19], [sflag:$0x1] =	stream.indirect.gather [hbm4b:s4+s18], $0x20, s3, s18, $0xb8;
	[tilespmem:$0x7200] =	vst v63  }
0x59: {  	s29 =	sadd.s32 $0x10, s29  }
0x5a: {  	[tilespmem:s23], [sflag:$0x3] =	stream.linear.gather [hbm4b:s29+s3], $0x80, $0x38;
	[tilespmem:$0x7200] =	vst v63  }
0x5b: {  	_ =	swait.ge [sflag:s17], $0x80  }
0x5c: {  	[sflag:s17] =	ssyncset.done $0x0  }
0x5d: {  	[sflag:s17] =	ssyncadd.s32 $0xFFFFFF80  }
0x5e: {  	_ =	swait.ge [sflag:s24], $0x1000  }
.Ltmp0:
0x5f: {  	[sflag:s24] =	ssyncset.done $0x0;
	(pc) =	sbr.rel @p0 .LBB2_2-.Ltmp0, $4  }
0x60: {  	[sflag:s24] =	ssyncadd.s32 $0xFFFFF000  }
0x61: {  	[spmem:s2] =	stream.indirect.scatter.add.f32 [tilespmem:s20], [sflag:$0x3], $0x20, s23, s18, $0xb8;
	[tilespmem:$0x7200] =	vst v63  }
0x62: {  	_ =	swait.ge [sflag:s17], $0x1000  }
0x63: {  	s29 =	smov.u32 s28;
	[sflag:s17] =	ssyncset.done $0x0  }
0x64: {  	s28 =	sadd.s32 s26, s14;
	[sflag:s17] =	ssyncadd.s32 $0xFFFFF000  }
0x65: {  	[tilespmem:s18], [sflag:$0x3] =	stream.linear.gather [hbm4b:s28+s3], $0x80, $0x38;
	[tilespmem:$0x7200] =	vst v63  }
0x66: {  	_ =	swait.ge [sflag:s17], $0x80  }
0x67: {  	[sflag:s17] =	ssyncset.done $0x0  }
0x68: {  	[sflag:s17] =	ssyncadd.s32 $0xFFFFFF80  }
0x69: {  	[tilespmem:s20], [sflag:$0x2] =	stream.indirect.gather [hbm4b:s4+s18], $0x20, s18, s18, $0xb8;
	[tilespmem:$0x7200] =	vst v63  }
0x6a: {  	s29 =	sadd.s32 s26, s15  }
0x6b: {  	[tilespmem:s21], [sflag:$0x3] =	stream.linear.gather [hbm4b:s29+s3], $0x80, $0x38;
	[tilespmem:$0x7200] =	vst v63  }
0x6c: {  	_ =	swait.ge [sflag:s17], $0x80  }
0x6d: {  	[sflag:s17] =	ssyncset.done $0x0  }
0x6e: {  	[sflag:s17] =	ssyncadd.s32 $0xFFFFFF80  }
0x6f: {  	_ =	swait.ge [sflag:s22], $0x1000  }
0x70: {  	[sflag:s22] =	ssyncset.done $0x0  }
0x71: {  	[sflag:s22] =	ssyncadd.s32 $0xFFFFF000  }
0x72: {  	[spmem:s2] =	stream.indirect.scatter.add.f32 [tilespmem:s19], [sflag:$0x3], $0x20, s21, s18, $0xb8;
	[tilespmem:$0x7200] =	vst v63  }
0x73: {  	_ =	swait.ge [sflag:s17], $0x1000  }
0x74: {  	[sflag:s17] =	ssyncset.done $0x0  }
0x75: {  	s30 =	sadd.s32 s26, s13;
	[sflag:s17] =	ssyncadd.s32 $0xFFFFF000  }
0x76: {  	[tilespmem:s3], [sflag:$0x3] =	stream.linear.gather [hbm4b:s30+s3], $0x80, $0x38;
	[tilespmem:$0x7200] =	vst v63  }
0x77: {  	_ =	swait.ge [sflag:s17], $0x80  }
0x78: {  	[sflag:s17] =	ssyncset.done $0x0  }
0x79: {  	[sflag:s17] =	ssyncadd.s32 $0xFFFFFF80  }
0x7a: {  	[tilespmem:s19], [sflag:$0x1] =	stream.indirect.gather [hbm4b:s4+s18], $0x20, s3, s18, $0xb8;
	[tilespmem:$0x7200] =	vst v63  }
0x7b: {  	s31 =	sadd.s32 $0x10, s29  }
0x7c: {  	[tilespmem:s23], [sflag:$0x3] =	stream.linear.gather [hbm4b:s31+s3], $0x80, $0x38;
	[tilespmem:$0x7200] =	vst v63  }
0x7d: {  	_ =	swait.ge [sflag:s17], $0x80  }
0x7e: {  	[sflag:s17] =	ssyncset.done $0x0  }
0x7f: {  	[sflag:s17] =	ssyncadd.s32 $0xFFFFFF80  }
0x80: {  	_ =	swait.ge [sflag:s24], $0x1000  }
0x81: {  	[sflag:s24] =	ssyncset.done $0x0  }
0x82: {  	[sflag:s24] =	ssyncadd.s32 $0xFFFFF000  }
0x83: {  	[spmem:s2] =	stream.indirect.scatter.add.f32 [tilespmem:s20], [sflag:$0x3], $0x20, s23, s18, $0xb8;
	[tilespmem:$0x7200] =	vst v63  }
0x84: {  	_ =	swait.ge [sflag:s17], $0x1000  }
0x85: {  	[sflag:s17] =	ssyncset.done $0x0  }
0x86: {  	[sflag:s17] =	ssyncadd.s32 $0xFFFFF000  }
0x87: {  	[tilespmem:s18], [sflag:$0x3] =	stream.linear.gather [hbm4b:s10+s3], $0x80, $0x38;
	[tilespmem:$0x7200] =	vst v63  }
0x88: {  	_ =	swait.ge [sflag:s17], $0x80  }
0x89: {  	[sflag:s17] =	ssyncset.done $0x0  }
0x8a: {  	[sflag:s17] =	ssyncadd.s32 $0xFFFFFF80  }
0x8b: {  	[tilespmem:s20], [sflag:$0x2] =	stream.indirect.gather [hbm4b:s4+s18], $0x20, s18, s18, $0xb8;
	[tilespmem:$0x7200] =	vst v63  }
0x8c: {  	_ = 	snop  }
0x8d: {  	[tilespmem:s21], [sflag:$0x3] =	stream.linear.gather [hbm4b:s11+s3], $0x80, $0x38;
	[tilespmem:$0x7200] =	vst v63  }
0x8e: {  	_ =	swait.ge [sflag:s17], $0x80  }
0x8f: {  	[sflag:s17] =	ssyncset.done $0x0  }
0x90: {  	[sflag:s17] =	ssyncadd.s32 $0xFFFFFF80  }
0x91: {  	_ =	swait.ge [sflag:s22], $0x1000  }
0x92: {  	[sflag:s22] =	ssyncset.done $0x0  }
0x93: {  	[sflag:s22] =	ssyncadd.s32 $0xFFFFF000  }
0x94: {  	[spmem:s2] =	stream.indirect.scatter.add.f32 [tilespmem:s19], [sflag:$0x3], $0x20, s21, s18, $0xb8;
	[tilespmem:$0x7200] =	vst v63  }
0x95: {  	_ =	swait.ge [sflag:s17], $0x1000  }
0x96: {  	[sflag:s17] =	ssyncset.done $0x0  }
0x97: {  	[sflag:s17] =	ssyncadd.s32 $0xFFFFF000  }
0x98: {  	[tilespmem:s3], [sflag:$0x3] =	stream.linear.gather [hbm4b:s10+s3], $0x80, $0x38;
	[tilespmem:$0x7200] =	vst v63  }
0x99: {  	_ =	swait.ge [sflag:s17], $0x80  }
0x9a: {  	[sflag:s17] =	ssyncset.done $0x0  }
0x9b: {  	[sflag:s17] =	ssyncadd.s32 $0xFFFFFF80  }
0x9c: {  	[tilespmem:s19], [sflag:$0x1] =	stream.indirect.gather [hbm4b:s4+s18], $0x20, s3, s18, $0xb8;
	[tilespmem:$0x7200] =	vst v63  }
0x9d: {  	_ = 	snop  }
0x9e: {  	[tilespmem:s23], [sflag:$0x3] =	stream.linear.gather [hbm4b:s12+s3], $0x80, $0x38;
	[tilespmem:$0x7200] =	vst v63  }
0x9f: {  	_ =	swait.ge [sflag:s17], $0x80  }
0xa0: {  	[sflag:s17] =	ssyncset.done $0x0  }
0xa1: {  	[sflag:s17] =	ssyncadd.s32 $0xFFFFFF80  }
0xa2: {  	_ =	swait.ge [sflag:s24], $0x1000  }
0xa3: {  	[sflag:s24] =	ssyncset.done $0x0  }
0xa4: {  	[sflag:s24] =	ssyncadd.s32 $0xFFFFF000  }
0xa5: {  	[spmem:s2] =	stream.indirect.scatter.add.f32 [tilespmem:s20], [sflag:$0x3], $0x20, s23, s18, $0xb8;
	[tilespmem:$0x7200] =	vst v63  }
0xa6: {  	_ =	swait.ge [sflag:s17], $0x1000  }
0xa7: {  	[sflag:s17] =	ssyncset.done $0x0  }
0xa8: {  	[sflag:s17] =	ssyncadd.s32 $0xFFFFF000  }
0xa9: {  	_ =	swait.ge [sflag:s22], $0x1000  }
0xaa: {  	s25 =	sadd.s32 $0x1, s25;
	[sflag:s22] =	ssyncset.done $0x0  }
0xab: {  	p0 =	sne.s32 s25, s9;
	[sflag:s22] =	ssyncadd.s32 $0xFFFFF000  }
.Ltmp1:
0xac: {  	[bflag:$0x0] =	sbarrier.arrive $0xFFFF;
	(pc) =	sbr.rel @p0 .LBB2_1-.Ltmp1, $4  }
0xad: {  	[hbm:s8], [sflag:s6] =	dma.local [spmem:s16], $0xA00  }
0xae: {  	_ =	swait.ge [sflag:s17], $0xA00  }
0xaf: {  	[sflag:s17] =	ssyncset.done $0x0  }
0xb0: {  	[sflag:s17] =	ssyncadd.s32 $0xFFFFF600  }
0xb1: {  	_ =	sfence.sel $0x180000  }
0xb2: {  	[bflag:$0x0] =	sbarrier.arrive $0xFFFF  }
0xb3: {  	p0 =	sne.s32 s1, $0x0;
	_ =	strace $0x9000004A  }
0xb4: {  	s0 =	sadd.s32 @!p0 $0x100000, s0;
	[bflag:$0x2] =	sbarrier.arrive $0xFFFF  }
0xb5: {  	[sflag:s0] =	ssyncadd.tile.s32 @!p0 $0x1;
	_ =	shalt  }
.Lfunc_end2:
_tile_overlayer_lowered:
.L_overlay_start_2:
0xb6: {  	(tag) =	ssettag $0x2  }
0xb7: {  	s0 =	rddreg [dreg:$0x0];
	s2 =	stileid.u32  }
0xb8: {  	s1 =	rddreg [dreg:$0x1];
	p0 =	sne.s32 s2, $0x0  }
0xb9: {  	s3 =	rddreg [dreg:$0x2];
	[bflag:$0x3] =	sbarrier.arrive $0xFFFF;
	s2 =	simm.s32 @!p0 $0x1C03  }
0xba: {  	[timem:s3], [sflag:s2] =	dma.local @!p0 [hbm:s0], s1  }
0xbb: {  	s0 =	simm.s32 @!p0 $0x3  }
0xbc: {  	_ =	swait.ge @!p0 [sflag:s0], s1  }
0xbd: {  	s1 =	ssub.s32 @!p0 $0x0, s1;
	[sflag:s0] =	ssyncset.done @!p0 $0x0  }
0xbe: {  	[sflag:s0] =	ssyncadd.s32 @!p0 s1  }
0xbf: {  	[bflag:$0x3] =	sbarrier.arrive $0xFFFF  }
0xc0: {  	_ =	shalt  }

// kernel: kernel.16.cloned.1.call-start
scs
__scs_entry_jumppad:
0x0: {  	(pc) =	sbr.rel $0x88, $3  }
0x1: {  	(tag) =	ssettag $0x0;
	lr =	simm.s32 $0x1  }
0x2: {  	[smem:$0x3F88] =	sst lr;
	_ =	strace $0xD0000000  }
0x3: {  	_ = 	snop  }
0x4: {  	_ = 	snop  }
0x5: {  	_ = 	snop  }
0x6: {  	_ = 	snop  }
0x7: {  	_ = 	snop  }
__scs_overlays_trampoline_lowered:
0x8: {  	[smem:$0x3F97] =	sst s0  }
0x9: {  	[smem:$0x3F98] =	sst s1  }
0xa: {  	[smem:$0x3F99] =	sst s2  }
0xb: {  	[smem:$0x3F9A] =	sst s3  }
0xc: {  	[smem:$0x3F9B] =	sst s4  }
0xd: {  	[smem:$0x3F9C] =	sst s5  }
0xe: {  	[smem:$0x3F9D] =	sst s6  }
0xf: {  	[smem:$0x3F9E] =	sst s7  }
0x10: {  	[smem:$0x3F9F] =	sst s8  }
0x11: {  	[smem:$0x3FA0] =	sst s9;
	s0 =	simm.s32 @!p0 $0x0  }
0x12: {  	s1 =	sld [smem:$0x3F86];
	s0 =	simm.s32 @p0 $0x1  }
0x13: {  	[smem:$0x3FA1] =	sst s0;
	s0 =	simm.s32 @!p1 $0x0  }
0x14: {  	s2 =	sld [smem:$0x3F85];
	s0 =	simm.s32 @p1 $0x1  }
0x15: {  	[smem:$0x3FA2] =	sst s0;
	s0 =	simm.s32 @!p2 $0x0  }
0x16: {  	s3 =	sld [smem:$0x3FDB];
	s0 =	simm.s32 @p2 $0x1  }
0x17: {  	s4 =	simm.s32 $0x1BF5;
	[smem:$0x3FA4] =	sst s0  }
0x18: {  	s0 =	sld [smem:$0x3F87];
	_ =	swait.ge [sflag:s4], $0x0  }
0x19: {  	s7 =	sld [smem:$0x3F88]  }
0x1a: {  	s8 =	sadd.s32 $0xFFFFE003, lr  }
0x1b: {  	s9 =	sadd.s32 $0xFFFFFEF7, lr;
	s5 =	simm.s32 $0xFFFFFFFF;
	p2 =	slt.u32 s8, $0xFFFFF086  }
0x1c: {  	p1 =	slt.u32 s9, $0xF7A;
	s5 =	simm.s32 @!p2 $0x0  }
0x1d: {  	s5 =	simm.s32 @p1 $0x1;
	p0 =	seq.s32 s7, s2  }
0x1e: {  	s7 =	smul.u32 @!p0 $0xF7A, s2;
	p2 =	seq.s32 @!p0 s5, $0x0  }
0x1f: {  	s9 =	smul.u32 $0xF7A, s1;
	s8 =	simm.s32 @!p0 $0x1BF5;
	p2 =	por !p2, p0  }
0x20: {  	[sflag:s8] =	ssyncset.s32 @!p0 $0xFFFFF086;
	s6 =	sadd.s32 @!p0 s3, s7;
	s7 =	simm.s32 @!p0 $0x108  }
0x21: {  	s3 =	sadd.s32 s3, s9;
	s6 =	sadd.s32 @!p0 $0x88, s6;
	s7 =	simm.s32 @p2 $0x1082  }
0x22: {  	[simem:s7], [sflag:s8] =	dma.local @!p0 [hbm:s6], $0xF7A  }
0x23: {  	s9 =	sor.u32 $0xD0000000, s2;
	s6 =	simm.s32 $0x108;
	_ =	swait.ge @!p0 [sflag:s8], $0x0  }
0x24: {  	s3 =	sadd.s32 $0x88, s3;
	s6 =	simm.s32 @!p1 $0x1082;
	[sflag:s4] =	ssyncset.s32 $0xFFFFF086  }
0x25: {  	[simem:s6], [sflag:s4] =	dma.local [hbm:s3], $0xF7A  }
0x26: {  	[smem:$0x3F88] =	sst s1;
	(tag) =	ssettag s2;
	_ =	strace s9  }
0x27: {  	s1 =	sld [smem:$0x3F98]  }
0x28: {  	s2 =	sld [smem:$0x3F99]  }
0x29: {  	s4 =	sld [smem:$0x3F9B]  }
0x2a: {  	p0 =	seq.s32 s5, $0x0;
	s5 =	sld [smem:$0x3F9C]  }
0x2b: {  	s6 =	sld [smem:$0x3F9D]  }
0x2c: {  	s7 =	sld [smem:$0x3F9E]  }
0x2d: {  	s3 =	simm.s32 $0x108;
	s8 =	sld [smem:$0x3F9F]  }
0x2e: {  	s3 =	simm.s32 @!p0 $0x1082;
	s9 =	sld [smem:$0x3FA0]  }
0x2f: {  	lr =	sadd.s32 s0, s3;
	s0 =	sld [smem:$0x3F97]  }
0x30: {  	s3 =	sld [smem:$0x3F9A]  }
0x31: {  	[smem:$0x3FA3] =	sst s10  }
0x32: {  	s10 =	sld [smem:$0x3FA1];
	_ =	sdelay $0x3  }
0x33: {  	p0 =	seq.s32 s10, $0x1;
	s10 =	sld [smem:$0x3FA3];
	_ =	sdelay $0x3  }
0x34: {  	[smem:$0x3FA3] =	sst s10  }
0x35: {  	s10 =	sld [smem:$0x3FA2];
	_ =	sdelay $0x3  }
0x36: {  	p1 =	seq.s32 s10, $0x1;
	s10 =	sld [smem:$0x3FA3];
	_ =	sdelay $0x3  }
0x37: {  	[smem:$0x3FA3] =	sst s10  }
0x38: {  	s10 =	sld [smem:$0x3FA4]  }
0x39: {  	_ = 	snop;
	(pc) =	sbr.ind lr, $3  }
0x3a: {  	_ = 	snop  }
0x3b: {  	_ = 	snop  }
0x3c: {  	p2 =	seq.s32 s10, $0x1;
	s10 =	sld [smem:$0x3FA3]  }
0x3d: {  	_ =	shalt  }
0x3e: {  	_ =	shalt  }
0x3f: {  	_ =	shalt  }
0x40: {  	_ =	shalt  }
0x41: {  	_ =	shalt  }
0x42: {  	_ =	shalt  }
0x43: {  	_ =	shalt  }
0x44: {  	_ =	shalt  }
0x45: {  	_ =	shalt  }
0x46: {  	_ =	shalt  }
0x47: {  	_ =	shalt  }
0x48: {  	_ =	shalt  }
0x49: {  	_ =	shalt  }
0x4a: {  	_ =	shalt  }
0x4b: {  	_ =	shalt  }
0x4c: {  	_ =	shalt  }
0x4d: {  	_ =	shalt  }
0x4e: {  	_ =	shalt  }
0x4f: {  	_ =	shalt  }
0x50: {  	_ =	shalt  }
0x51: {  	_ =	shalt  }
0x52: {  	_ =	shalt  }
0x53: {  	_ =	shalt  }
0x54: {  	_ =	shalt  }
0x55: {  	_ =	shalt  }
0x56: {  	_ =	shalt  }
0x57: {  	_ =	shalt  }
0x58: {  	_ =	shalt  }
0x59: {  	_ =	shalt  }
0x5a: {  	_ =	shalt  }
0x5b: {  	_ =	shalt  }
0x5c: {  	_ =	shalt  }
0x5d: {  	_ =	shalt  }
0x5e: {  	_ =	shalt  }
0x5f: {  	_ =	shalt  }
0x60: {  	_ =	shalt  }
0x61: {  	_ =	shalt  }
0x62: {  	_ =	shalt  }
0x63: {  	_ =	shalt  }
0x64: {  	_ =	shalt  }
0x65: {  	_ =	shalt  }
0x66: {  	_ =	shalt  }
0x67: {  	_ =	shalt  }
0x68: {  	_ =	shalt  }
0x69: {  	_ =	shalt  }
0x6a: {  	_ =	shalt  }
0x6b: {  	_ =	shalt  }
0x6c: {  	_ =	shalt  }
0x6d: {  	_ =	shalt  }
0x6e: {  	_ =	shalt  }
0x6f: {  	_ =	shalt  }
0x70: {  	_ =	shalt  }
0x71: {  	_ =	shalt  }
0x72: {  	_ =	shalt  }
0x73: {  	_ =	shalt  }
0x74: {  	_ =	shalt  }
0x75: {  	_ =	shalt  }
0x76: {  	_ =	shalt  }
0x77: {  	_ =	shalt  }
0x78: {  	_ =	shalt  }
0x79: {  	_ =	shalt  }
0x7a: {  	_ =	shalt  }
0x7b: {  	_ =	shalt  }
0x7c: {  	_ =	shalt  }
0x7d: {  	_ =	shalt  }
0x7e: {  	_ =	shalt  }
0x7f: {  	_ =	shalt  }
0x80: {  	_ =	shalt  }
0x81: {  	_ =	shalt  }
0x82: {  	_ =	shalt  }
0x83: {  	_ =	shalt  }
0x84: {  	_ =	shalt  }
0x85: {  	_ =	shalt  }
0x86: {  	_ =	shalt  }
0x87: {  	_ =	shalt  }
.Lfunc_end0:
.L_simem_size_0:
called_computation.2_lowered:
.L_overlay_start_0:
0x88: {  	s2 =	sld [smem:$0x3FD9]  }
0x89: {  	s3 =	sld [smem:$0x3FFE];
	_ =	sdelay $0x1  }
0x8a: {  	s1 =	srdreg.scid  }
0x8b: {  	s0 =	sand.u32 $0x1, s1  }
0x8c: {  	s16 =	sshll.u32 s0, $0xA;
	s2 =	sadd.s32 s3, s2  }
0x8d: {  	s2 =	sadd.s32 s2, s16  }
0x8e: {  	[smem:$0x3FAF] =	sst s2  }
0x8f: {  	_ = 	snop  }
0x90: {  	(tm) =	ssettm $0x1  }
0x91: {  	s17 =	sld [smem:$0x3FFB];
	_ =	sdelay $0x3  }
0x92: {  	_ =	strace s17  }
0x93: {  	s2 =	sld [smem:$0x3FFC];
	_ =	sdelay $0x3  }
0x94: {  	_ =	strace s2  }
0x95: {  	s2 =	sld [smem:$0x3FFD];
	_ =	sdelay $0x3  }
0x96: {  	_ =	strace s2  }
0x97: {  	_ =	strace $0x8FFFFFFF  }
0x98: {  	s18 =	sld [smem:$0x3FDB];
	_ =	sdelay $0x1  }
0x99: {  	s19 =	simm.s32 $_scs_section_size  }
0x9a: {  	s4 =	simm.s32 $_size__tile_overlayer_lowered;
	s5 =	simm.s32 $_tile_overlayer_lowered  }
0x9b: {  	s22 =	simm.s32 $0x1BFF;
	s21 =	sshll.u32 s5, $0x1;
	s2 =	sadd.s32 s19, s18  }
0x9c: {  	s6 =	simm.s32 $0x0;
	s20 =	sshll.u32 s4, $0x1;
	s4 =	sadd.s32 s21, s2  }
0x9d: {  	[timem:s6], [sflag:s22] =	dma.local [hbm:s4], s20  }
0x9e: {  	_ =	swait.ge [sflag:s22], s20  }
0x9f: {  	s3 =	ssub.s32 $0x0, s20;
	[sflag:s22] =	ssyncset.done $0x0  }
0xa0: {  	[sflag:s22] =	ssyncadd.s32 s3;
	_ =	sdelay $0x1  }
0xa1: {  	s23 =	simm.s32 $0x1B8B  }
0xa2: {  	_ =	swait.ge [sflag:s23], $0x1  }
0xa3: {  	[sflag:s23] =	ssyncset.done $0x0  }
0xa4: {  	s25 =	simm.s32 $0x1B8E;
	s24 =	sld [smem:$0x3FFE];
	[sflag:s23] =	ssyncadd.s32 $0xFFFFFFFF  }
0xa5: {  	s26 =	simm.s32 $execute0_lowered;
	[smem:$0x3FD2] =	sst s25  }
0xa6: {  	s4 =	sshll.u32 s26, $0x1;
	_ =	strace $0x8000004C;
	[dreg:$0x1] =	wrdreg $0xFFFFFFFF  }
0xa7: {  	s28 =	simm.s32 $_size_execute0_lowered;
	s2 =	sadd.s32 s2, s4;
	[dreg:$0x0] =	wrdreg $0x0  }
0xa8: {  	s4 =	sshll.u32 s28, $0x1;
	[dreg:$0x2] =	wrdreg s2  }
0xa9: {  	[dreg:$0x3] =	wrdreg s4  }
0xaa: {  	[dreg:$0x4] =	wrdreg $0xC0  }
0xab: {  	_ =	task [dreg:s6], $0x5FFFF  }
0xac: {  	[dreg:$0x1] =	wrdreg $0xFFFFFFFF  }
0xad: {  	[dreg:$0x0] =	wrdreg $0x60  }
0xae: {  	[dreg:$0x2] =	wrdreg s24  }
0xaf: {  	[dreg:$0x3] =	wrdreg $0x22000  }
0xb0: {  	[dreg:$0x4] =	wrdreg $0x9  }
0xb1: {  	_ =	task.clear_ibuf [dreg:s6], $0x5FFFF;
	_ =	strace $0x9000004C  }
0xb2: {  	s29 =	simm.s32 $0x9;
	_ =	strace $0x8000004E  }
0xb3: {  	_ =	swait.ge [sflag:s29], $0x1  }
0xb4: {  	[sflag:s29] =	ssyncadd.s32 $0xFFFFFFFF  }
0xb5: {  	_ =	strace $0x9000004E  }
0xb6: {  	_ =	sfence  }
0xb7: {  	s30 =	sld [smem:$0x0];
	_ =	sdelay $0x2  }
0xb8: {  	s31 =	sshll.u32 s1, $0xD;
	s1 =	sshrl.u32 s1, $0x2  }
0xb9: {  	s3 =	sand.u32 $0x4000, s31;
	s1 =	sadd.s32 s1, s30  }
0xba: {  	s0 =	sor.u32 s3, s0;
	s1 =	sshll.u32 s1, $0x11  }
0xbb: {  	s0 =	sor.u32 s1, s0  }
0xbc: {  	s0 =	sadd.s32 $0x8F2B, s0  }
0xbd: {  	[sflag:s0] =	ssyncadd.remote.s32 $0x1  }
0xbe: {  	_ =	sfence.sel $0xFFFF  }
0xbf: {  	[dreg:$0x0] =	wrdreg $0xFFFFFFFF;
	(pc) =	sbr.abs _section_cstart, $3  }
0xc0: {  	[dreg:$0x1] =	wrdreg $0xFFFFFFFF  }
0xc1: {  	_ =	task.clear_ibuf [dreg:s6], $0x2FFFF;
	_ =	strace $0x9FFFFFFF  }
0xc2: {  	(tm) =	ssettm $0x7FFFFFFF  }
0xc3: {  	_ =	shalt  }
tec
execute0_lowered:
.L_overlay_start_1:
0x0: {  	(tag) =	ssettag $0x1  }
0x1: {  	s6 =	rddreg [dreg:$0x0]  }
0x2: {  	s2 =	rddreg [dreg:$0x1]  }
0x3: {  	s0 =	rddreg [dreg:$0x2]  }
0x4: {  	s3 =	simm.s32 $0x0;
	s4 =	srdreg.scid;
	s1 =	stileid.u32  }
0x5: {  	s20 =	simm.s32 $0x1200;
	s21 =	simm.s32 $0x100;
	s22 =	simm.s32 $0x1  }
0x6: {  	s23 =	simm.s32 $0x180;
	s24 =	simm.s32 $0x2;
	s25 =	simm.s32 $0x0  }
0x7: {  	[smem:$0x7FF] =	sst s3;
	s5 =	sand.u32 $0x1, s4;
	s7 =	smul.u32 $0x5000, s1  }
0x8: {  	s4 =	sadd.s32 $0x7CA00, s6;
	s14 =	sadd.s32 $0x9A400, s6;
	s11 =	smul.u32 $0x9E00, s1  }
0x9: {  	s15 =	sadd.s32 $0xC1C00, s6;
	s29 =	sshll.u32 s1, $0x6;
	s19 =	smul.u32 $0x13C0, s1  }
0xa: {  	_ =	strace $0x8000004D;
	s8 =	smul.u32 $0x50000, s5;
	s10 =	ssub.s32 $0x2, s5  }
0xb: {  	s9 =	smul.u32 $0x9E000, s5;
	s5 =	sadd.s32 $0x90A00, s6;
	s12 =	sshrl.u32 s10, $0x1  }
0xc: {  	s16 =	sadd.s32 s7, s2;
	s8 =	sadd.s32 s7, s8;
	s10 =	ssub.s32 s10, s12  }
0xd: {  	s28 =	sadd.s32 s11, s9;
	s11 =	sshrl.u32 s11, $0x3;
	s16 =	sshrl.u32 s16, $0x3  }
0xe: {  	s8 =	sshrl.u32 s8, $0x3;
	s30 =	sshrl.u32 s28, $0x3;
	s9 =	smax.u32 s10, $0x1  }
0xf: {  	s13 =	sadd.s32 s15, s11;
	s17 =	sor.u32 $0x100, s28;
	s18 =	sor.u32 $0x80, s28  }
0x10: {  	s15 =	sadd.s32 s19, s15;
	s19 =	simm.s32 $0x200;
	s8 =	sadd.s32 s8, s6  }
0x11: {  	s6 =	sor.u32 $0x1C03, s29;
	s7 =	sadd.s32 s14, s30;
	s11 =	sadd.s32 $0x13A0, s13  }
0x12: {  	s17 =	sshrl.u32 s17, $0x3;
	s12 =	sadd.s32 $0x13B0, s13;
	s31 =	sshrl.u32 s18, $0x3  }
0x13: {  	s18 =	simm.s32 $0x80;
	s8 =	sadd.s32 $0xD5800, s8;
	s10 =	sadd.s32 $0x13B0, s7  }
0x14: {  	s13 =	sadd.s32 s17, s14;
	s14 =	sadd.s32 s31, s14;
	s17 =	simm.s32 $0x3  }
.LBB2_1:
0x15: {  	[spmem:s16], [sflag:s6] =	dma.local [hbm:s5], $0xA00  }
0x16: {  	_ =	swait.ge [sflag:s17], $0xA00  }
0x17: {  	[sflag:s17] =	ssyncset.done $0x0  }
0x18: {  	[sflag:s17] =	ssyncadd.s32 $0xFFFFF600  }
0x19: {  	[bflag:$0x0] =	sbarrier.arrive $0xFFFF  }
0x1a: {  	[tilespmem:s3], [sflag:$0x3] =	stream.linear.gather [hbm4b:s7+s3], $0x80, $0x38;
	[tilespmem:$0x7200] =	vst v63  }
0x1b: {  	_ =	swait.ge [sflag:s17], $0x80  }
0x1c: {  	[sflag:s17] =	ssyncset.done $0x0  }
0x1d: {  	[sflag:s17] =	ssyncadd.s32 $0xFFFFFF80  }
0x1e: {  	[tilespmem:s19], [sflag:$0x1] =	stream.indirect.gather [hbm4b:s4+s18], $0x20, s3, s18, $0xb8;
	[tilespmem:$0x7200] =	vst v63  }
0x1f: {  	s26 =	sadd.s32 $0x0, s14  }
0x20: {  	[tilespmem:s18], [sflag:$0x3] =	stream.linear.gather [hbm4b:s26+s3], $0x80, $0x38;
	[tilespmem:$0x7200] =	vst v63  }
0x21: {  	_ =	swait.ge [sflag:s17], $0x80  }
0x22: {  	[sflag:s17] =	ssyncset.done $0x0  }
0x23: {  	[sflag:s17] =	ssyncadd.s32 $0xFFFFFF80  }
0x24: {  	[tilespmem:s20], [sflag:$0x2] =	stream.indirect.gather [hbm4b:s4+s18], $0x20, s18, s18, $0xb8;
	[tilespmem:$0x7200] =	vst v63  }
0x25: {  	s31 =	sadd.s32 $0x0, s15  }
0x26: {  	[tilespmem:s21], [sflag:$0x3] =	stream.linear.gather [hbm4b:s31+s3], $0x80, $0x38;
	[tilespmem:$0x7200] =	vst v63  }
0x27: {  	_ =	swait.ge [sflag:s17], $0x80  }
0x28: {  	[sflag:s17] =	ssyncset.done $0x0  }
0x29: {  	[sflag:s17] =	ssyncadd.s32 $0xFFFFFF80  }
0x2a: {  	_ =	swait.ge [sflag:s22], $0x1000  }
0x2b: {  	[sflag:s22] =	ssyncset.done $0x0  }
0x2c: {  	[sflag:s22] =	ssyncadd.s32 $0xFFFFF000  }
0x2d: {  	[spmem:s2] =	stream.indirect.scatter.add.f32 [tilespmem:s19], [sflag:$0x3], $0x20, s21, s18, $0xb8;
	[tilespmem:$0x7200] =	vst v63  }
0x2e: {  	_ =	swait.ge [sflag:s17], $0x1000  }
0x2f: {  	[sflag:s17] =	ssyncset.done $0x0  }
0x30: {  	s28 =	sadd.s32 $0x0, s13;
	[sflag:s17] =	ssyncadd.s32 $0xFFFFF000  }
0x31: {  	[tilespmem:s3], [sflag:$0x3] =	stream.linear.gather [hbm4b:s28+s3], $0x80, $0x38;
	[tilespmem:$0x7200] =	vst v63  }
0x32: {  	_ =	swait.ge [sflag:s17], $0x80  }
0x33: {  	[sflag:s17] =	ssyncset.done $0x0  }
0x34: {  	[sflag:s17] =	ssyncadd.s32 $0xFFFFFF80  }
0x35: {  	[tilespmem:s19], [sflag:$0x1] =	stream.indirect.gather [hbm4b:s4+s18], $0x20, s3, s18, $0xb8;
	[tilespmem:$0x7200] =	vst v63  }
0x36: {  	s26 =	sadd.s32 $0x10, s31  }
0x37: {  	[tilespmem:s23], [sflag:$0x3] =	stream.linear.gather [hbm4b:s26+s3], $0x80, $0x38;
	[tilespmem:$0x7200] =	vst v63  }
0x38: {  	_ =	swait.ge [sflag:s17], $0x80  }
0x39: {  	[sflag:s17] =	ssyncset.done $0x0  }
0x3a: {  	[sflag:s17] =	ssyncadd.s32 $0xFFFFFF80  }
0x3b: {  	_ =	swait.ge [sflag:s24], $0x1000  }
0x3c: {  	[sflag:s24] =	ssyncset.done $0x0  }
0x3d: {  	[sflag:s24] =	ssyncadd.s32 $0xFFFFF000  }
0x3e: {  	[spmem:s2] =	stream.indirect.scatter.add.f32 [tilespmem:s20], [sflag:$0x3], $0x20, s23, s18, $0xb8;
	[tilespmem:$0x7200] =	vst v63  }
0x3f: {  	_ =	swait.ge [sflag:s17], $0x1000  }
0x40: {  	s29 =	simm.s32 $0x40;
	s26 =	simm.s32 $0x20;
	[sflag:s17] =	ssyncset.done $0x0  }
.LBB2_2:
0x41: {  	s30 =	sadd.s32 s26, s14  }
0x42: {  	[sflag:s17] =	ssyncadd.s32 $0xFFFFF000;
	s31 =	smov.u32 s29;
	s28 =	sadd.s32 $0x20, s29  }
0x43: {  	[tilespmem:s18], [sflag:$0x3] =	stream.linear.gather [hbm4b:s30+s3], $0x80, $0x38;
	[tilespmem:$0x7200] =	vst v63  }
0x44: {  	p0 =	sne.s32 s29, $0x1380;
	_ =	swait.ge [sflag:s17], $0x80  }
0x45: {  	[sflag:s17] =	ssyncset.done $0x0  }
0x46: {  	[sflag:s17] =	ssyncadd.s32 $0xFFFFFF80  }
0x47: {  	[tilespmem:s20], [sflag:$0x2] =	stream.indirect.gather [hbm4b:s4+s18], $0x20, s18, s18, $0xb8;
	[tilespmem:$0x7200] =	vst v63  }
0x48: {  	s29 =	sadd.s32 s26, s15  }
0x49: {  	[tilespmem:s21], [sflag:$0x3] =	stream.linear.gather [hbm4b:s29+s3], $0x80, $0x38;
	[tilespmem:$0x7200] =	vst v63  }
0x4a: {  	_ =	swait.ge [sflag:s17], $0x80  }
0x4b: {  	[sflag:s17] =	ssyncset.done $0x0  }
0x4c: {  	[sflag:s17] =	ssyncadd.s32 $0xFFFFFF80  }
0x4d: {  	_ =	swait.ge [sflag:s22], $0x1000  }
0x4e: {  	[sflag:s22] =	ssyncset.done $0x0  }
0x4f: {  	[sflag:s22] =	ssyncadd.s32 $0xFFFFF000  }
0x50: {  	[spmem:s2] =	stream.indirect.scatter.add.f32 [tilespmem:s19], [sflag:$0x3], $0x20, s21, s18, $0xb8;
	[tilespmem:$0x7200] =	vst v63  }
0x51: {  	_ =	swait.ge [sflag:s17], $0x1000  }
0x52: {  	[sflag:s17] =	ssyncset.done $0x0  }
0x53: {  	s30 =	sadd.s32 s26, s13;
	s26 =	smov.u32 s31;
	[sflag:s17] =	ssyncadd.s32 $0xFFFFF000  }
0x54: {  	[tilespmem:s3], [sflag:$0x3] =	stream.linear.gather [hbm4b:s30+s3], $0x80, $0x38;
	[tilespmem:$0x7200] =	vst v63  }
0x55: {  	_ =	swait.ge [sflag:s17], $0x80  }
0x56: {  	[sflag:s17] =	ssyncset.done $0x0  }
0x57: {  	[sflag:s17] =	ssyncadd.s32 $0xFFFFFF80  }
0x58: {  	[tilespmem:s19], [sflag:$0x1] =	stream.indirect.gather [hbm4b:s4+s18], $0x20, s3, s18, $0xb8;
	[tilespmem:$0x7200] =	vst v63  }
0x59: {  	s29 =	sadd.s32 $0x10, s29  }
0x5a: {  	[tilespmem:s23], [sflag:$0x3] =	stream.linear.gather [hbm4b:s29+s3], $0x80, $0x38;
	[tilespmem:$0x7200] =	vst v63  }
0x5b: {  	_ =	swait.ge [sflag:s17], $0x80  }
0x5c: {  	[sflag:s17] =	ssyncset.done $0x0  }
0x5d: {  	[sflag:s17] =	ssyncadd.s32 $0xFFFFFF80  }
0x5e: {  	_ =	swait.ge [sflag:s24], $0x1000  }
.Ltmp0:
0x5f: {  	[sflag:s24] =	ssyncset.done $0x0;
	(pc) =	sbr.rel @p0 .LBB2_2-.Ltmp0, $4  }
0x60: {  	[sflag:s24] =	ssyncadd.s32 $0xFFFFF000  }
0x61: {  	[spmem:s2] =	stream.indirect.scatter.add.f32 [tilespmem:s20], [sflag:$0x3], $0x20, s23, s18, $0xb8;
	[tilespmem:$0x7200] =	vst v63  }
0x62: {  	_ =	swait.ge [sflag:s17], $0x1000  }
0x63: {  	s29 =	smov.u32 s28;
	[sflag:s17] =	ssyncset.done $0x0  }
0x64: {  	s28 =	sadd.s32 s26, s14;
	[sflag:s17] =	ssyncadd.s32 $0xFFFFF000  }
0x65: {  	[tilespmem:s18], [sflag:$0x3] =	stream.linear.gather [hbm4b:s28+s3], $0x80, $0x38;
	[tilespmem:$0x7200] =	vst v63  }
0x66: {  	_ =	swait.ge [sflag:s17], $0x80  }
0x67: {  	[sflag:s17] =	ssyncset.done $0x0  }
0x68: {  	[sflag:s17] =	ssyncadd.s32 $0xFFFFFF80  }
0x69: {  	[tilespmem:s20], [sflag:$0x2] =	stream.indirect.gather [hbm4b:s4+s18], $0x20, s18, s18, $0xb8;
	[tilespmem:$0x7200] =	vst v63  }
0x6a: {  	s29 =	sadd.s32 s26, s15  }
0x6b: {  	[tilespmem:s21], [sflag:$0x3] =	stream.linear.gather [hbm4b:s29+s3], $0x80, $0x38;
	[tilespmem:$0x7200] =	vst v63  }
0x6c: {  	_ =	swait.ge [sflag:s17], $0x80  }
0x6d: {  	[sflag:s17] =	ssyncset.done $0x0  }
0x6e: {  	[sflag:s17] =	ssyncadd.s32 $0xFFFFFF80  }
0x6f: {  	_ =	swait.ge [sflag:s22], $0x1000  }
0x70: {  	[sflag:s22] =	ssyncset.done $0x0  }
0x71: {  	[sflag:s22] =	ssyncadd.s32 $0xFFFFF000  }
0x72: {  	[spmem:s2] =	stream.indirect.scatter.add.f32 [tilespmem:s19], [sflag:$0x3], $0x20, s21, s18, $0xb8;
	[tilespmem:$0x7200] =	vst v63  }
0x73: {  	_ =	swait.ge [sflag:s17], $0x1000  }
0x74: {  	[sflag:s17] =	ssyncset.done $0x0  }
0x75: {  	s30 =	sadd.s32 s26, s13;
	[sflag:s17] =	ssyncadd.s32 $0xFFFFF000  }
0x76: {  	[tilespmem:s3], [sflag:$0x3] =	stream.linear.gather [hbm4b:s30+s3], $0x80, $0x38;
	[tilespmem:$0x7200] =	vst v63  }
0x77: {  	_ =	swait.ge [sflag:s17], $0x80  }
0x78: {  	[sflag:s17] =	ssyncset.done $0x0  }
0x79: {  	[sflag:s17] =	ssyncadd.s32 $0xFFFFFF80  }
0x7a: {  	[tilespmem:s19], [sflag:$0x1] =	stream.indirect.gather [hbm4b:s4+s18], $0x20, s3, s18, $0xb8;
	[tilespmem:$0x7200] =	vst v63  }
0x7b: {  	s31 =	sadd.s32 $0x10, s29  }
0x7c: {  	[tilespmem:s23], [sflag:$0x3] =	stream.linear.gather [hbm4b:s31+s3], $0x80, $0x38;
	[tilespmem:$0x7200] =	vst v63  }
0x7d: {  	_ =	swait.ge [sflag:s17], $0x80  }
0x7e: {  	[sflag:s17] =	ssyncset.done $0x0  }
0x7f: {  	[sflag:s17] =	ssyncadd.s32 $0xFFFFFF80  }
0x80: {  	_ =	swait.ge [sflag:s24], $0x1000  }
0x81: {  	[sflag:s24] =	ssyncset.done $0x0  }
0x82: {  	[sflag:s24] =	ssyncadd.s32 $0xFFFFF000  }
0x83: {  	[spmem:s2] =	stream.indirect.scatter.add.f32 [tilespmem:s20], [sflag:$0x3], $0x20, s23, s18, $0xb8;
	[tilespmem:$0x7200] =	vst v63  }
0x84: {  	_ =	swait.ge [sflag:s17], $0x1000  }
0x85: {  	[sflag:s17] =	ssyncset.done $0x0  }
0x86: {  	[sflag:s17] =	ssyncadd.s32 $0xFFFFF000  }
0x87: {  	[tilespmem:s18], [sflag:$0x3] =	stream.linear.gather [hbm4b:s10+s3], $0x80, $0x38;
	[tilespmem:$0x7200] =	vst v63  }
0x88: {  	_ =	swait.ge [sflag:s17], $0x80  }
0x89: {  	[sflag:s17] =	ssyncset.done $0x0  }
0x8a: {  	[sflag:s17] =	ssyncadd.s32 $0xFFFFFF80  }
0x8b: {  	[tilespmem:s20], [sflag:$0x2] =	stream.indirect.gather [hbm4b:s4+s18], $0x20, s18, s18, $0xb8;
	[tilespmem:$0x7200] =	vst v63  }
0x8c: {  	_ = 	snop  }
0x8d: {  	[tilespmem:s21], [sflag:$0x3] =	stream.linear.gather [hbm4b:s11+s3], $0x80, $0x38;
	[tilespmem:$0x7200] =	vst v63  }
0x8e: {  	_ =	swait.ge [sflag:s17], $0x80  }
0x8f: {  	[sflag:s17] =	ssyncset.done $0x0  }
0x90: {  	[sflag:s17] =	ssyncadd.s32 $0xFFFFFF80  }
0x91: {  	_ =	swait.ge [sflag:s22], $0x1000  }
0x92: {  	[sflag:s22] =	ssyncset.done $0x0  }
0x93: {  	[sflag:s22] =	ssyncadd.s32 $0xFFFFF000  }
0x94: {  	[spmem:s2] =	stream.indirect.scatter.add.f32 [tilespmem:s19], [sflag:$0x3], $0x20, s21, s18, $0xb8;
	[tilespmem:$0x7200] =	vst v63  }
0x95: {  	_ =	swait.ge [sflag:s17], $0x1000  }
0x96: {  	[sflag:s17] =	ssyncset.done $0x0  }
0x97: {  	[sflag:s17] =	ssyncadd.s32 $0xFFFFF000  }
0x98: {  	[tilespmem:s3], [sflag:$0x3] =	stream.linear.gather [hbm4b:s10+s3], $0x80, $0x38;
	[tilespmem:$0x7200] =	vst v63  }
0x99: {  	_ =	swait.ge [sflag:s17], $0x80  }
0x9a: {  	[sflag:s17] =	ssyncset.done $0x0  }
0x9b: {  	[sflag:s17] =	ssyncadd.s32 $0xFFFFFF80  }
0x9c: {  	[tilespmem:s19], [sflag:$0x1] =	stream.indirect.gather [hbm4b:s4+s18], $0x20, s3, s18, $0xb8;
	[tilespmem:$0x7200] =	vst v63  }
0x9d: {  	_ = 	snop  }
0x9e: {  	[tilespmem:s23], [sflag:$0x3] =	stream.linear.gather [hbm4b:s12+s3], $0x80, $0x38;
	[tilespmem:$0x7200] =	vst v63  }
0x9f: {  	_ =	swait.ge [sflag:s17], $0x80  }
0xa0: {  	[sflag:s17] =	ssyncset.done $0x0  }
0xa1: {  	[sflag:s17] =	ssyncadd.s32 $0xFFFFFF80  }
0xa2: {  	_ =	swait.ge [sflag:s24], $0x1000  }
0xa3: {  	[sflag:s24] =	ssyncset.done $0x0  }
0xa4: {  	[sflag:s24] =	ssyncadd.s32 $0xFFFFF000  }
0xa5: {  	[spmem:s2] =	stream.indirect.scatter.add.f32 [tilespmem:s20], [sflag:$0x3], $0x20, s23, s18, $0xb8;
	[tilespmem:$0x7200] =	vst v63  }
0xa6: {  	_ =	swait.ge [sflag:s17], $0x1000  }
0xa7: {  	[sflag:s17] =	ssyncset.done $0x0  }
0xa8: {  	[sflag:s17] =	ssyncadd.s32 $0xFFFFF000  }
0xa9: {  	_ =	swait.ge [sflag:s22], $0x1000  }
0xaa: {  	s25 =	sadd.s32 $0x1, s25;
	[sflag:s22] =	ssyncset.done $0x0  }
0xab: {  	p0 =	sne.s32 s25, s9;
	[sflag:s22] =	ssyncadd.s32 $0xFFFFF000  }
.Ltmp1:
0xac: {  	[bflag:$0x0] =	sbarrier.arrive $0xFFFF;
	(pc) =	sbr.rel @p0 .LBB2_1-.Ltmp1, $4  }
0xad: {  	[hbm:s8], [sflag:s6] =	dma.local [spmem:s16], $0xA00  }
0xae: {  	_ =	swait.ge [sflag:s17], $0xA00  }
0xaf: {  	[sflag:s17] =	ssyncset.done $0x0  }
0xb0: {  	[sflag:s17] =	ssyncadd.s32 $0xFFFFF600  }
0xb1: {  	_ =	sfence.sel $0x180000  }
0xb2: {  	[bflag:$0x0] =	sbarrier.arrive $0xFFFF  }
0xb3: {  	p0 =	sne.s32 s1, $0x0;
	_ =	strace $0x9000004D  }
0xb4: {  	s0 =	sadd.s32 @!p0 $0x100000, s0;
	[bflag:$0x2] =	sbarrier.arrive $0xFFFF  }
0xb5: {  	[sflag:s0] =	ssyncadd.tile.s32 @!p0 $0x1;
	_ =	shalt  }
.Lfunc_end2:
_tile_overlayer_lowered:
.L_overlay_start_2:
0xb6: {  	(tag) =	ssettag $0x2  }
0xb7: {  	s0 =	rddreg [dreg:$0x0];
	s2 =	stileid.u32  }
0xb8: {  	s1 =	rddreg [dreg:$0x1];
	p0 =	sne.s32 s2, $0x0  }
0xb9: {  	s3 =	rddreg [dreg:$0x2];
	[bflag:$0x3] =	sbarrier.arrive $0xFFFF;
	s2 =	simm.s32 @!p0 $0x1C03  }
0xba: {  	[timem:s3], [sflag:s2] =	dma.local @!p0 [hbm:s0], s1  }
0xbb: {  	s0 =	simm.s32 @!p0 $0x3  }
0xbc: {  	_ =	swait.ge @!p0 [sflag:s0], s1  }
0xbd: {  	s1 =	ssub.s32 @!p0 $0x0, s1;
	[sflag:s0] =	ssyncset.done @!p0 $0x0  }
0xbe: {  	[sflag:s0] =	ssyncadd.s32 @!p0 s1  }
0xbf: {  	[bflag:$0x3] =	sbarrier.arrive $0xFFFF  }
0xc0: {  	_ =	shalt  }

</sc_bundles>
